<compile_context>
chip_gen: v7x
topology: tpu7x:2x2x1
jax: 0.10.2.dev20260603
libtpu: 0.0.44.dev20260713+nightly
codegen_flags: <defaults>
</compile_context>

<pallas_src>
import dataclasses
import functools

import jax
import jax.numpy as jnp
from jax import lax
from jax.experimental import pallas as pl
from jax.experimental.pallas import tpu as pltpu
from jax.experimental.pallas import tpu_sc as plsc

N = 10000
D = 128
NNZ = 320000

NUM_CORES = 2
NUM_SUBCORES = 16
NW = NUM_CORES * NUM_SUBCORES
PER_W = NNZ // NW
CH = 40
NCH = PER_W // CH
NG = D // 16
ZCH = 80
NZ = N // ZCH


def _sc_phase(bf16_table: bool):
    mesh = plsc.VectorSubcoreMesh(core_axis_name="c", subcore_axis_name="s")
    cp = pltpu.CompilerParams()
    if "needs_layout_passes" in pltpu.CompilerParams.__dataclass_fields__:
        cp = dataclasses.replace(cp, needs_layout_passes=False)
    if bf16_table:
        cp = dataclasses.replace(cp, use_tc_tiling_on_sc=False)
    tcols = D // 2 if bf16_table else D
    tdt = jnp.int32 if bf16_table else jnp.float32

    @functools.partial(
        pl.kernel,
        out_type=jax.ShapeDtypeStruct((NUM_CORES, N, D), jnp.float32),
        mesh=mesh,
        compiler_params=cp,
        scratch_types=[
            pltpu.VMEM_SHARED((N, D), jnp.float32),
            pltpu.VMEM((PER_W,), jnp.int32),
            pltpu.VMEM((PER_W,), jnp.int32),
            pltpu.VMEM((PER_W,), jnp.float32),
            pltpu.VMEM((CH, tcols), tdt),
            pltpu.VMEM((CH, tcols), tdt),
            pltpu.VMEM((CH, D), jnp.float32),
            pltpu.VMEM((CH, D), jnp.float32),
            pltpu.SemaphoreType.DMA,
            pltpu.SemaphoreType.DMA,
            pltpu.SemaphoreType.DMA,
            pltpu.SemaphoreType.DMA,
        ],
    )
    def phase(table_hbm, gidx_hbm, sidx_hbm, vals_hbm, out_hbm,
              acc, gi_v, si_v, va_v, gb0, gb1, sb0, sb1,
              gsem0, gsem1, ssem0, ssem1):
        cid = lax.axis_index("c")
        sid = lax.axis_index("s")
        wid = cid * NUM_SUBCORES + sid

        base0 = pl.multiple_of(wid * PER_W, PER_W)
        pltpu.sync_copy(gidx_hbm.at[pl.ds(base0, PER_W)], gi_v)
        pltpu.sync_copy(sidx_hbm.at[pl.ds(base0, PER_W)], si_v)
        pltpu.sync_copy(vals_hbm.at[pl.ds(base0, PER_W)], va_v)

        zero16 = jnp.zeros((16,), jnp.float32)

        @pl.loop(0, ZCH)
        def _(j):
            for g in range(NG):
                sb0[j, pl.ds(g * 16, 16)] = zero16

        @pl.loop(sid, NZ, step=NUM_SUBCORES)
        def _(k):
            base = pl.multiple_of(k * ZCH, ZCH)
            pltpu.sync_copy(sb0.at[pl.ds(0, ZCH)], acc.at[pl.ds(base, ZCH), :])

        plsc.subcore_barrier()

        def gather_cp(c, b, sem):
            return pltpu.make_async_copy(
                tbl.at[gi_v.at[pl.ds(c * CH, CH)]], b, sem)

        def scatter_cp(c, b, sem):
            return pltpu.make_async_copy(
                b, acc.at[si_v.at[pl.ds(c * CH, CH)]], sem)

        tbl = table_hbm

        def chunk(c, gb, sb, gsem, ssem, first):
            gather_cp(c, gb, gsem).wait()

            @pl.when(jnp.logical_not(first))
            def _():
                scatter_cp(c - 2, sb, ssem).wait()

            @plsc.parallel_loop(0, CH)
            def _(j):
                scale = plsc.load_gather(
                    va_v, [jnp.full((16,), c * CH + j, jnp.int32)])
                if bf16_table:
                    for g in range(D // 32):
                        y = plsc.bitcast(gb[j, pl.ds(g * 16, 16)],
                                         jnp.bfloat16)
                        lo, hi = plsc.unpack(
                            y, format=plsc.PackFormat.INTERLEAVED)
                        sb[j, pl.ds(g * 32, 16)] = lo * scale
                        sb[j, pl.ds(g * 32 + 16, 16)] = hi * scale
                else:
                    for g in range(NG):
                        sl = pl.ds(g * 16, 16)
                        sb[j, sl] = gb[j, sl] * scale

            pltpu.async_copy(sb, acc.at[si_v.at[pl.ds(c * CH, CH)]],
                             ssem, add=True)

            @pl.when(c + 2 < NCH)
            def _():
                gather_cp(c + 2, gb, gsem).start()

        gather_cp(0, gb0, gsem0).start()
        gather_cp(1, gb1, gsem1).start()

        @pl.loop(0, NCH // 2)
        def _(t):
            chunk(2 * t, gb0, sb0, gsem0, ssem0, t == 0)
            chunk(2 * t + 1, gb1, sb1, gsem1, ssem1, t == 0)

        if NCH % 2:
            chunk(NCH - 1, gb0, sb0, gsem0, ssem0, False)
            scatter_cp(NCH - 1, sb0, ssem0).wait()
            scatter_cp(NCH - 2, sb1, ssem1).wait()
        else:
            scatter_cp(NCH - 2, sb0, ssem0).wait()
            scatter_cp(NCH - 1, sb1, ssem1).wait()
        plsc.subcore_barrier()

        @pl.loop(sid, NZ, step=NUM_SUBCORES)
        def _(k):
            base = pl.multiple_of(k * ZCH, ZCH)
            sl = pl.ds(base, ZCH)
            pltpu.sync_copy(acc.at[sl, :], out_hbm.at[cid, sl, :])

    return phase


_phase_w = _sc_phase(bf16_table=False)
_phase_x = _phase_w


def _tc_combine(relu: bool, bf16_interleave: bool = False):
    bn = 1000

    def body(p_ref, o_ref):
        s = p_ref[0] + p_ref[1]
        if relu:
            s = jnp.maximum(s, 0.0)
        if bf16_interleave:
            s = s.reshape(bn, D // 32, 2, 16).swapaxes(2, 3).reshape(bn, D)
            s = s.astype(jnp.bfloat16)
        o_ref[...] = s

    return pl.pallas_call(
        body,
        grid=(N // bn,),
        in_specs=[pl.BlockSpec((NUM_CORES, bn, D), lambda i: (0, i, 0))],
        out_shape=jax.ShapeDtypeStruct(
            (N, D), jnp.bfloat16 if bf16_interleave else jnp.float32),
        out_specs=pl.BlockSpec((bn, D), lambda i: (i, 0)),
    )


_combine_sum = _tc_combine(relu=False)
_combine_relu = _tc_combine(relu=True)


def kernel(feat_rows, feat_cols, feat_vals, edge_index, adj_vals, weights):
    src = edge_index[1]
    dst = edge_index[0]
    pa = _phase_w(weights, feat_cols, feat_rows, feat_vals)
    xw = _combine_sum(pa)
    pb = _phase_x(xw, src, dst, adj_vals)
    return _combine_relu(pb)

# --- scband reference (transcript-rebuilt; emitter-appended) ---
"""Pipeline reference for scband-graph-convolution-sparse-36129264894615 (READ-ONLY COPY).

The authoritative reference and input builder live on the scoring server;
editing this copy changes nothing except your own understanding.
"""

import jax, jax.numpy as jnp
import numpy as np

N = 10000
D_IN = 128
D_OUT = 128
NNZ_FEAT = 320000
N_EDGES = 320000


def setup_inputs(seed: int = 0) -> dict:
    key = jax.random.key(seed)
    k1, k2, k3, k4, k5, k6 = jax.random.split(key, 6)
    feat_rows = jax.random.randint(k1, (NNZ_FEAT,), 0, N, dtype=jnp.int64 if jax.config.jax_enable_x64 else jnp.int32)
    feat_cols = jax.random.randint(k2, (NNZ_FEAT,), 0, D_IN, dtype=jnp.int64 if jax.config.jax_enable_x64 else jnp.int32)
    feat_vals = jax.random.normal(k3, (NNZ_FEAT,), dtype=jnp.float32)
    edge_index = jax.random.randint(k4, (2, N_EDGES), 0, N, dtype=jnp.int64 if jax.config.jax_enable_x64 else jnp.int32)
    adj_vals = jax.random.uniform(k5, (N_EDGES,), dtype=jnp.float32)
    init_range = np.sqrt(6.0 / (D_IN + D_OUT))
    weights = jax.random.uniform(k6, (D_IN, D_OUT), minval=-init_range, maxval=init_range, dtype=jnp.float32)
    return {
        'feat_rows': feat_rows,
        'feat_cols': feat_cols,
        'feat_vals': feat_vals,
        'edge_index': edge_index,
        'adj_vals': adj_vals,
        'weights': weights,
    }


def reference(feat_rows, feat_cols, feat_vals, edge_index, adj_vals, weights):
    # dropout=0.0 -> keep_prob=1.0 -> dropout_sparse is the identity (floor(1+u)=1 keeps all nnz, scale 1/1).
    # x = sparse_tensor_dense_matmul(x_sparse, W):
    # each nonzero (r, c, v) contributes v * W[c, :] to output row r.
    xw = jax.ops.segment_sum(feat_vals[:, None] * jnp.take(weights, feat_cols, axis=0), feat_rows, num_segments=N)
    # x = sparse_tensor_dense_matmul(adj, x): gather source rows, scale by adj values, scatter-add to dst rows.
    src = edge_index[1]
    dst = edge_index[0]
    msgs = adj_vals[:, None] * jnp.take(xw, src, axis=0)
    out = jax.ops.segment_sum(msgs, dst, num_segments=N)
    # act = tf.nn.relu
    return jax.nn.relu(out)

if __name__ == "__main__":
    import jax
    _d = setup_inputs()
    print(jax.jit(kernel)(*tuple(_d.values())))

</pallas_src>

<mosaic_0001>
#map = affine_map<(d0, d1) -> (0, 0)>
#map1 = affine_map<(d0, d1) -> (0)>
#map2 = affine_map<(d0, d1) -> (0, 0, 0)>
module attributes {stable_mosaic.version = 14 : i64} {
  func.func @phase(%arg0: i32, %arg1: i32, %arg2: memref<10000x128xf32, #tpu.memory_space<hbm>>, %arg3: memref<320000xi32, #tpu.memory_space<hbm>>, %arg4: memref<320000xi32, #tpu.memory_space<hbm>>, %arg5: memref<320000xf32, #tpu.memory_space<hbm>>, %arg6: memref<2x10000x128xf32, #tpu.memory_space<hbm>>, %arg7: memref<10000x128xf32, #tpu.memory_space<vmem_shared>>, %arg8: memref<10000xi32, #tpu.memory_space<vmem>>, %arg9: memref<10000xi32, #tpu.memory_space<vmem>>, %arg10: memref<10000xf32, #tpu.memory_space<vmem>>, %arg11: memref<40x128xf32, #tpu.memory_space<vmem>>, %arg12: memref<40x128xf32, #tpu.memory_space<vmem>>, %arg13: memref<40x128xf32, #tpu.memory_space<vmem>>, %arg14: memref<40x128xf32, #tpu.memory_space<vmem>>, %arg15: memref<!tpu.dma_semaphore, #tpu.memory_space<semaphore_mem>>, %arg16: memref<!tpu.dma_semaphore, #tpu.memory_space<semaphore_mem>>, %arg17: memref<!tpu.dma_semaphore, #tpu.memory_space<semaphore_mem>>, %arg18: memref<!tpu.dma_semaphore, #tpu.memory_space<semaphore_mem>>) attributes {dimension_semantics = [#tpu.dimension_semantics<core_parallel>, #tpu.dimension_semantics<subcore_parallel>], iteration_bounds = array<i64: 2, 16>, scalar_prefetch = 0 : i64, scratch_operands = 12 : i64, tpu.core_type = #tpu.core_type<sc_vector_subcore>, window_params = [{transform_indices = #map}, {transform_indices = #map1}, {transform_indices = #map1}, {transform_indices = #map1}, {transform_indices = #map2}]} {
    %mul3A = arith.constant 16 : i32
    %mul3A_0 = arith.muli %arg0, %mul3A : i32
    %add3A = arith.addi %mul3A_0, %arg1 : i32
    %mul3A_1 = arith.constant 10000 : i32
    %mul3A_2 = arith.muli %add3A, %mul3A_1 : i32
    %multiple_of3A = tpu.assume_multiple %mul3A_2, 10000 : i32
    "tpu.region"() ({
      %run_scoped3A = tpu.sem_alloc : memref<!tpu.dma_semaphore, #tpu.memory_space<semaphore_mem>>
      %dma_start3A_65 = tpu.memref_slice %arg3[%multiple_of3A] : memref<320000xi32, #tpu.memory_space<hbm>> -> memref<10000xi32, #tpu.memory_space<hbm>>
      %dma_start3A_66 = tpu.memref_slice %arg3[%multiple_of3A] : memref<320000xi32, #tpu.memory_space<hbm>> -> memref<10000xi32, #tpu.memory_space<hbm>>
      tpu.enqueue_dma source(%dma_start3A_66 : memref<10000xi32, #tpu.memory_space<hbm>>) target(%arg8 : memref<10000xi32, #tpu.memory_space<vmem>>) target_semaphore(%run_scoped3A : memref<!tpu.dma_semaphore, #tpu.memory_space<semaphore_mem>>)
      %dma_wait3A_67 = tpu.memref_slice %arg3[%multiple_of3A] : memref<320000xi32, #tpu.memory_space<hbm>> -> memref<10000xi32, #tpu.memory_space<hbm>>
      %dma_wait3A_68 = tpu.memref_slice %arg3[%multiple_of3A] : memref<320000xi32, #tpu.memory_space<hbm>> -> memref<10000xi32, #tpu.memory_space<hbm>>
      tpu.wait_dma2 semaphore(%run_scoped3A : memref<!tpu.dma_semaphore, #tpu.memory_space<semaphore_mem>>) src(%dma_wait3A_68 : memref<10000xi32, #tpu.memory_space<hbm>>) dst(%arg8 : memref<10000xi32, #tpu.memory_space<vmem>>)
      tpu.yield
    }) : () -> ()
    "tpu.region"() ({
      %run_scoped3A = tpu.sem_alloc : memref<!tpu.dma_semaphore, #tpu.memory_space<semaphore_mem>>
      %dma_start3A_65 = tpu.memref_slice %arg4[%multiple_of3A] : memref<320000xi32, #tpu.memory_space<hbm>> -> memref<10000xi32, #tpu.memory_space<hbm>>
      %dma_start3A_66 = tpu.memref_slice %arg4[%multiple_of3A] : memref<320000xi32, #tpu.memory_space<hbm>> -> memref<10000xi32, #tpu.memory_space<hbm>>
      tpu.enqueue_dma source(%dma_start3A_66 : memref<10000xi32, #tpu.memory_space<hbm>>) target(%arg9 : memref<10000xi32, #tpu.memory_space<vmem>>) target_semaphore(%run_scoped3A : memref<!tpu.dma_semaphore, #tpu.memory_space<semaphore_mem>>)
      %dma_wait3A_67 = tpu.memref_slice %arg4[%multiple_of3A] : memref<320000xi32, #tpu.memory_space<hbm>> -> memref<10000xi32, #tpu.memory_space<hbm>>
      %dma_wait3A_68 = tpu.memref_slice %arg4[%multiple_of3A] : memref<320000xi32, #tpu.memory_space<hbm>> -> memref<10000xi32, #tpu.memory_space<hbm>>
      tpu.wait_dma2 semaphore(%run_scoped3A : memref<!tpu.dma_semaphore, #tpu.memory_space<semaphore_mem>>) src(%dma_wait3A_68 : memref<10000xi32, #tpu.memory_space<hbm>>) dst(%arg9 : memref<10000xi32, #tpu.memory_space<vmem>>)
      tpu.yield
    }) : () -> ()
    "tpu.region"() ({
      %run_scoped3A = tpu.sem_alloc : memref<!tpu.dma_semaphore, #tpu.memory_space<semaphore_mem>>
      %dma_start3A_65 = tpu.memref_slice %arg5[%multiple_of3A] : memref<320000xf32, #tpu.memory_space<hbm>> -> memref<10000xf32, #tpu.memory_space<hbm>>
      %dma_start3A_66 = tpu.memref_slice %arg5[%multiple_of3A] : memref<320000xf32, #tpu.memory_space<hbm>> -> memref<10000xf32, #tpu.memory_space<hbm>>
      tpu.enqueue_dma source(%dma_start3A_66 : memref<10000xf32, #tpu.memory_space<hbm>>) target(%arg10 : memref<10000xf32, #tpu.memory_space<vmem>>) target_semaphore(%run_scoped3A : memref<!tpu.dma_semaphore, #tpu.memory_space<semaphore_mem>>)
      %dma_wait3A_67 = tpu.memref_slice %arg5[%multiple_of3A] : memref<320000xf32, #tpu.memory_space<hbm>> -> memref<10000xf32, #tpu.memory_space<hbm>>
      %dma_wait3A_68 = tpu.memref_slice %arg5[%multiple_of3A] : memref<320000xf32, #tpu.memory_space<hbm>> -> memref<10000xf32, #tpu.memory_space<hbm>>
      tpu.wait_dma2 semaphore(%run_scoped3A : memref<!tpu.dma_semaphore, #tpu.memory_space<semaphore_mem>>) src(%dma_wait3A_68 : memref<10000xf32, #tpu.memory_space<hbm>>) dst(%arg10 : memref<10000xf32, #tpu.memory_space<vmem>>)
      tpu.yield
    }) : () -> ()
    %broadcast_in_dim3A = arith.constant 0.000000e+00 : f32
    %broadcast_in_dim3A_3 = vector.broadcast %broadcast_in_dim3A : f32 to vector<16xf32>
    %scan3A = arith.constant 0 : i32
    %scan3A_4 = arith.constant 80 : i32
    %scan3A_5 = arith.addi %scan3A, %scan3A_4 : i32
    %scan3A_6 = arith.constant 1 : i32
    scf.for %scan3A_65 = %scan3A to %scan3A_5 step %scan3A_6  : i32 {
      %mul3A_66 = arith.constant 1 : i32
      %mul3A_67 = arith.muli %scan3A_65, %mul3A_66 : i32
      %add3A_68 = arith.constant 0 : i32
      %add3A_69 = arith.addi %add3A_68, %mul3A_67 : i32
      %swap3A = arith.index_cast %add3A_69 : i32 to index
      %swap3A_70 = arith.constant 0 : index
      %swap3A_71 = tpu.vector_load %arg13[%swap3A, %swap3A_70] {strides = array<i32>} : memref<40x128xf32, #tpu.memory_space<vmem>>, vector<16xf32>,
      tpu.vector_store %arg13[%swap3A, %swap3A_70], %broadcast_in_dim3A_3 {strides = array<i32>} : memref<40x128xf32, #tpu.memory_space<vmem>>, vector<16xf32>,
      %swap3A_72 = arith.index_cast %add3A_69 : i32 to index
      %swap3A_73 = arith.constant 16 : index
      %swap3A_74 = tpu.vector_load %arg13[%swap3A_72, %swap3A_73] {strides = array<i32>} : memref<40x128xf32, #tpu.memory_space<vmem>>, vector<16xf32>,
      tpu.vector_store %arg13[%swap3A_72, %swap3A_73], %broadcast_in_dim3A_3 {strides = array<i32>} : memref<40x128xf32, #tpu.memory_space<vmem>>, vector<16xf32>,
      %swap3A_75 = arith.index_cast %add3A_69 : i32 to index
      %swap3A_76 = arith.constant 32 : index
      %swap3A_77 = tpu.vector_load %arg13[%swap3A_75, %swap3A_76] {strides = array<i32>} : memref<40x128xf32, #tpu.memory_space<vmem>>, vector<16xf32>,
      tpu.vector_store %arg13[%swap3A_75, %swap3A_76], %broadcast_in_dim3A_3 {strides = array<i32>} : memref<40x128xf32, #tpu.memory_space<vmem>>, vector<16xf32>,
      %swap3A_78 = arith.index_cast %add3A_69 : i32 to index
      %swap3A_79 = arith.constant 48 : index
      %swap3A_80 = tpu.vector_load %arg13[%swap3A_78, %swap3A_79] {strides = array<i32>} : memref<40x128xf32, #tpu.memory_space<vmem>>, vector<16xf32>,
      tpu.vector_store %arg13[%swap3A_78, %swap3A_79], %broadcast_in_dim3A_3 {strides = array<i32>} : memref<40x128xf32, #tpu.memory_space<vmem>>, vector<16xf32>,
      %swap3A_81 = arith.index_cast %add3A_69 : i32 to index
      %swap3A_82 = arith.constant 64 : index
      %swap3A_83 = tpu.vector_load %arg13[%swap3A_81, %swap3A_82] {strides = array<i32>} : memref<40x128xf32, #tpu.memory_space<vmem>>, vector<16xf32>,
      tpu.vector_store %arg13[%swap3A_81, %swap3A_82], %broadcast_in_dim3A_3 {strides = array<i32>} : memref<40x128xf32, #tpu.memory_space<vmem>>, vector<16xf32>,
      %swap3A_84 = arith.index_cast %add3A_69 : i32 to index
      %swap3A_85 = arith.constant 80 : index
      %swap3A_86 = tpu.vector_load %arg13[%swap3A_84, %swap3A_85] {strides = array<i32>} : memref<40x128xf32, #tpu.memory_space<vmem>>, vector<16xf32>,
      tpu.vector_store %arg13[%swap3A_84, %swap3A_85], %broadcast_in_dim3A_3 {strides = array<i32>} : memref<40x128xf32, #tpu.memory_space<vmem>>, vector<16xf32>,
      %swap3A_87 = arith.index_cast %add3A_69 : i32 to index
      %swap3A_88 = arith.constant 96 : index
      %swap3A_89 = tpu.vector_load %arg13[%swap3A_87, %swap3A_88] {strides = array<i32>} : memref<40x128xf32, #tpu.memory_space<vmem>>, vector<16xf32>,
      tpu.vector_store %arg13[%swap3A_87, %swap3A_88], %broadcast_in_dim3A_3 {strides = array<i32>} : memref<40x128xf32, #tpu.memory_space<vmem>>, vector<16xf32>,
      %swap3A_90 = arith.index_cast %add3A_69 : i32 to index
      %swap3A_91 = arith.constant 112 : index
      %swap3A_92 = tpu.vector_load %arg13[%swap3A_90, %swap3A_91] {strides = array<i32>} : memref<40x128xf32, #tpu.memory_space<vmem>>, vector<16xf32>,
      tpu.vector_store %arg13[%swap3A_90, %swap3A_91], %broadcast_in_dim3A_3 {strides = array<i32>} : memref<40x128xf32, #tpu.memory_space<vmem>>, vector<16xf32>,
    }
    %scan3A_7 = arith.constant 80 : i32
    %sub3A = arith.constant 125 : i32
    %sub3A_8 = arith.subi %sub3A, %arg1 : i32
    %sub3A_9 = arith.constant 16 : i32
    %sub3A_10 = arith.constant 1 : i32
    %sub3A_11 = arith.subi %sub3A_9, %sub3A_10 : i32
    %add3A_12 = arith.addi %sub3A_8, %sub3A_11 : i32
    %div3A = arith.constant 16 : i32
    %div3A_13 = arith.divsi %add3A_12, %div3A : i32
    %while3A = arith.constant 16 : i32
    %while3A_14 = arith.constant 0 : i32
    %while3A_15 = arith.subi %div3A_13, %while3A_14 : i32
    %while3A_16 = arith.addi %while3A_14, %while3A_15 : i32
    %while3A_17 = arith.constant 1 : i32
    %while3A_18 = arith.divsi %while3A_15, %while3A_17 : i32
    %while3A_19 = arith.muli %while3A_18, %while3A_17 : i32
    %while3A_20 = arith.addi %while3A_14, %while3A_19 : i32
    %while3A_21 = arith.constant 1 : i32
    scf.for %while3A_65 = %while3A_14 to %while3A_20 step %while3A_21  : i32 {
      %mul3A_66 = arith.muli %while3A_65, %while3A : i32
      %add3A_67 = arith.addi %arg1, %mul3A_66 : i32
      %mul3A_68 = arith.constant 80 : i32
      %mul3A_69 = arith.muli %add3A_67, %mul3A_68 : i32
      %multiple_of3A_70 = tpu.assume_multiple %mul3A_69, 80 : i32
      "tpu.region"() ({
        %run_scoped3A = tpu.sem_alloc : memref<!tpu.dma_semaphore, #tpu.memory_space<semaphore_mem>>
        %dma_start3A_71 = arith.constant 0 : i32
        %dma_start3A_72 = arith.constant 0 : i32
        %dma_start3A_73 = tpu.memref_slice %arg13[%dma_start3A_71, %dma_start3A_72] : memref<40x128xf32, #tpu.memory_space<vmem>> -> memref<80x128xf32, #tpu.memory_space<vmem>>
        %dma_start3A_74 = arith.constant 0 : i32
        %dma_start3A_75 = tpu.memref_slice %arg7[%multiple_of3A_70, %dma_start3A_74] : memref<10000x128xf32, #tpu.memory_space<vmem_shared>> -> memref<80x128xf32, #tpu.memory_space<vmem_shared>>
        %dma_start3A_76 = arith.constant 0 : i32
        %dma_start3A_77 = tpu.memref_slice %arg7[%multiple_of3A_70, %dma_start3A_76] : memref<10000x128xf32, #tpu.memory_space<vmem_shared>> -> memref<80x128xf32, #tpu.memory_space<vmem_shared>>
        %dma_start3A_78 = arith.constant 0 : i32
        %dma_start3A_79 = arith.constant 0 : i32
        %dma_start3A_80 = tpu.memref_slice %arg13[%dma_start3A_78, %dma_start3A_79] : memref<40x128xf32, #tpu.memory_space<vmem>> -> memref<80x128xf32, #tpu.memory_space<vmem>>
        tpu.enqueue_dma source(%dma_start3A_80 : memref<80x128xf32, #tpu.memory_space<vmem>>) target(%dma_start3A_77 : memref<80x128xf32, #tpu.memory_space<vmem_shared>>) target_semaphore(%run_scoped3A : memref<!tpu.dma_semaphore, #tpu.memory_space<semaphore_mem>>)
        %dma_wait3A_81 = arith.constant 0 : i32
        %dma_wait3A_82 = arith.constant 0 : i32
        %dma_wait3A_83 = tpu.memref_slice %arg13[%dma_wait3A_81, %dma_wait3A_82] : memref<40x128xf32, #tpu.memory_space<vmem>> -> memref<80x128xf32, #tpu.memory_space<vmem>>
        %dma_wait3A_84 = arith.constant 0 : i32
        %dma_wait3A_85 = tpu.memref_slice %arg7[%multiple_of3A_70, %dma_wait3A_84] : memref<10000x128xf32, #tpu.memory_space<vmem_shared>> -> memref<80x128xf32, #tpu.memory_space<vmem_shared>>
        %dma_wait3A_86 = arith.constant 0 : i32
        %dma_wait3A_87 = tpu.memref_slice %arg7[%multiple_of3A_70, %dma_wait3A_86] : memref<10000x128xf32, #tpu.memory_space<vmem_shared>> -> memref<80x128xf32, #tpu.memory_space<vmem_shared>>
        %dma_wait3A_88 = arith.constant 0 : i32
        %dma_wait3A_89 = arith.constant 0 : i32
        %dma_wait3A_90 = tpu.memref_slice %arg13[%dma_wait3A_88, %dma_wait3A_89] : memref<40x128xf32, #tpu.memory_space<vmem>> -> memref<80x128xf32, #tpu.memory_space<vmem>>
        tpu.wait_dma2 semaphore(%run_scoped3A : memref<!tpu.dma_semaphore, #tpu.memory_space<semaphore_mem>>) src(%dma_wait3A_90 : memref<80x128xf32, #tpu.memory_space<vmem>>) dst(%dma_wait3A_87 : memref<80x128xf32, #tpu.memory_space<vmem_shared>>)
        tpu.yield
      }) : () -> ()
    }
    %while3A_22 = arith.constant 1 : i32
    scf.for %while3A_65 = %while3A_20 to %while3A_16 step %while3A_22  : i32 {
      %mul3A_66 = arith.muli %while3A_65, %while3A : i32
      %add3A_67 = arith.addi %arg1, %mul3A_66 : i32
      %mul3A_68 = arith.constant 80 : i32
      %mul3A_69 = arith.muli %add3A_67, %mul3A_68 : i32
      %multiple_of3A_70 = tpu.assume_multiple %mul3A_69, 80 : i32
      "tpu.region"() ({
        %run_scoped3A = tpu.sem_alloc : memref<!tpu.dma_semaphore, #tpu.memory_space<semaphore_mem>>
        %dma_start3A_71 = arith.constant 0 : i32
        %dma_start3A_72 = arith.constant 0 : i32
        %dma_start3A_73 = tpu.memref_slice %arg13[%dma_start3A_71, %dma_start3A_72] : memref<40x128xf32, #tpu.memory_space<vmem>> -> memref<80x128xf32, #tpu.memory_space<vmem>>
        %dma_start3A_74 = arith.constant 0 : i32
        %dma_start3A_75 = tpu.memref_slice %arg7[%multiple_of3A_70, %dma_start3A_74] : memref<10000x128xf32, #tpu.memory_space<vmem_shared>> -> memref<80x128xf32, #tpu.memory_space<vmem_shared>>
        %dma_start3A_76 = arith.constant 0 : i32
        %dma_start3A_77 = tpu.memref_slice %arg7[%multiple_of3A_70, %dma_start3A_76] : memref<10000x128xf32, #tpu.memory_space<vmem_shared>> -> memref<80x128xf32, #tpu.memory_space<vmem_shared>>
        %dma_start3A_78 = arith.constant 0 : i32
        %dma_start3A_79 = arith.constant 0 : i32
        %dma_start3A_80 = tpu.memref_slice %arg13[%dma_start3A_78, %dma_start3A_79] : memref<40x128xf32, #tpu.memory_space<vmem>> -> memref<80x128xf32, #tpu.memory_space<vmem>>
        tpu.enqueue_dma source(%dma_start3A_80 : memref<80x128xf32, #tpu.memory_space<vmem>>) target(%dma_start3A_77 : memref<80x128xf32, #tpu.memory_space<vmem_shared>>) target_semaphore(%run_scoped3A : memref<!tpu.dma_semaphore, #tpu.memory_space<semaphore_mem>>)
        %dma_wait3A_81 = arith.constant 0 : i32
        %dma_wait3A_82 = arith.constant 0 : i32
        %dma_wait3A_83 = tpu.memref_slice %arg13[%dma_wait3A_81, %dma_wait3A_82] : memref<40x128xf32, #tpu.memory_space<vmem>> -> memref<80x128xf32, #tpu.memory_space<vmem>>
        %dma_wait3A_84 = arith.constant 0 : i32
        %dma_wait3A_85 = tpu.memref_slice %arg7[%multiple_of3A_70, %dma_wait3A_84] : memref<10000x128xf32, #tpu.memory_space<vmem_shared>> -> memref<80x128xf32, #tpu.memory_space<vmem_shared>>
        %dma_wait3A_86 = arith.constant 0 : i32
        %dma_wait3A_87 = tpu.memref_slice %arg7[%multiple_of3A_70, %dma_wait3A_86] : memref<10000x128xf32, #tpu.memory_space<vmem_shared>> -> memref<80x128xf32, #tpu.memory_space<vmem_shared>>
        %dma_wait3A_88 = arith.constant 0 : i32
        %dma_wait3A_89 = arith.constant 0 : i32
        %dma_wait3A_90 = tpu.memref_slice %arg13[%dma_wait3A_88, %dma_wait3A_89] : memref<40x128xf32, #tpu.memory_space<vmem>> -> memref<80x128xf32, #tpu.memory_space<vmem>>
        tpu.wait_dma2 semaphore(%run_scoped3A : memref<!tpu.dma_semaphore, #tpu.memory_space<semaphore_mem>>) src(%dma_wait3A_90 : memref<80x128xf32, #tpu.memory_space<vmem>>) dst(%dma_wait3A_87 : memref<80x128xf32, #tpu.memory_space<vmem_shared>>)
        tpu.yield
      }) : () -> ()
    }
    %barrier3A = arith.constant 0 : index
    tpu.barrier barrier_id(%barrier3A)
    %dma_start3A = arith.constant 0 : i32
    %dma_start3A_23 = tpu.memref_slice %arg8[%dma_start3A] : memref<10000xi32, #tpu.memory_space<vmem>> -> memref<40xi32, #tpu.memory_space<vmem>>
    %dma_start3A_24 = arith.constant 0 : i32
    %dma_start3A_25 = arith.constant 0 : i32
    %dma_start3A_26 = tpu.memref_slice %arg2[%dma_start3A_24, %dma_start3A_25] : memref<10000x128xf32, #tpu.memory_space<hbm>> -> memref<10000x128xf32, #tpu.memory_space<hbm>>
    tpu.enqueue_indirect_dma source(%dma_start3A_26 : memref<10000x128xf32, #tpu.memory_space<hbm>>) target(%arg11 : memref<40x128xf32, #tpu.memory_space<vmem>>) offsets(%dma_start3A_23 : memref<40xi32, #tpu.memory_space<vmem>>) semaphore(%arg15 : memref<!tpu.dma_semaphore, #tpu.memory_space<semaphore_mem>>)
    %dma_start3A_27 = arith.constant 40 : i32
    %dma_start3A_28 = tpu.memref_slice %arg8[%dma_start3A_27] : memref<10000xi32, #tpu.memory_space<vmem>> -> memref<40xi32, #tpu.memory_space<vmem>>
    %dma_start3A_29 = arith.constant 0 : i32
    %dma_start3A_30 = arith.constant 0 : i32
    %dma_start3A_31 = tpu.memref_slice %arg2[%dma_start3A_29, %dma_start3A_30] : memref<10000x128xf32, #tpu.memory_space<hbm>> -> memref<10000x128xf32, #tpu.memory_space<hbm>>
    tpu.enqueue_indirect_dma source(%dma_start3A_31 : memref<10000x128xf32, #tpu.memory_space<hbm>>) target(%arg12 : memref<40x128xf32, #tpu.memory_space<vmem>>) offsets(%dma_start3A_28 : memref<40xi32, #tpu.memory_space<vmem>>) semaphore(%arg16 : memref<!tpu.dma_semaphore, #tpu.memory_space<semaphore_mem>>)
    %scan3A_32 = arith.constant 0 : i32
    %scan3A_33 = arith.constant 125 : i32
    %scan3A_34 = arith.addi %scan3A_32, %scan3A_33 : i32
    %scan3A_35 = arith.constant 1 : i32
    scf.for %scan3A_65 = %scan3A_32 to %scan3A_34 step %scan3A_35  : i32 {
      %mul3A_66 = arith.constant 1 : i32
      %mul3A_67 = arith.muli %scan3A_65, %mul3A_66 : i32
      %add3A_68 = arith.constant 0 : i32
      %add3A_69 = arith.addi %add3A_68, %mul3A_67 : i32
      %mul3A_70 = arith.constant 2 : i32
      %mul3A_71 = arith.muli %mul3A_70, %add3A_69 : i32
      %eq3A = arith.constant 0 : i32
      %eq3A_72 = arith.cmpi eq, %add3A_69, %eq3A : i32
      %mul3A_73 = arith.constant 40 : i32
      %mul3A_74 = arith.muli %mul3A_71, %mul3A_73 : i32
      %dma_wait3A_75 = tpu.memref_slice %arg8[%mul3A_74] : memref<10000xi32, #tpu.memory_space<vmem>> -> memref<40xi32, #tpu.memory_space<vmem>>
      %dma_wait3A_76 = arith.constant 0 : i32
      %dma_wait3A_77 = arith.constant 0 : i32
      %dma_wait3A_78 = tpu.memref_slice %arg2[%dma_wait3A_76, %dma_wait3A_77] : memref<10000x128xf32, #tpu.memory_space<hbm>> -> memref<10000x128xf32, #tpu.memory_space<hbm>>
      tpu.wait_indirect_dma semaphore(%arg15 : memref<!tpu.dma_semaphore, #tpu.memory_space<semaphore_mem>>) src(%dma_wait3A_78 : memref<10000x128xf32, #tpu.memory_space<hbm>>) dst(%arg11 : memref<40x128xf32, #tpu.memory_space<vmem>>)
      %not3A = arith.constant true
      %not3A_79 = arith.xori %eq3A_72, %not3A : i1
      %convert_element_type3A = arith.extui %not3A_79 : i1 to i32
      %cond3A = arith.constant 0 : i32
      %cond3A_80 = arith.cmpi ne, %convert_element_type3A, %cond3A : i32
      scf.if %cond3A_80 {
        %sub3A_128 = arith.constant 2 : i32
        %sub3A_129 = arith.subi %mul3A_71, %sub3A_128 : i32
        %mul3A_130 = arith.constant 40 : i32
        %mul3A_131 = arith.muli %sub3A_129, %mul3A_130 : i32
        %dma_wait3A_132 = tpu.memref_slice %arg9[%mul3A_131] : memref<10000xi32, #tpu.memory_space<vmem>> -> memref<40xi32, #tpu.memory_space<vmem>>
        %dma_wait3A_133 = arith.constant 0 : i32
        %dma_wait3A_134 = arith.constant 0 : i32
        %dma_wait3A_135 = tpu.memref_slice %arg7[%dma_wait3A_133, %dma_wait3A_134] : memref<10000x128xf32, #tpu.memory_space<vmem_shared>> -> memref<10000x128xf32, #tpu.memory_space<vmem_shared>>
        tpu.wait_indirect_dma semaphore(%arg17 : memref<!tpu.dma_semaphore, #tpu.memory_space<semaphore_mem>>) src(%arg13 : memref<40x128xf32, #tpu.memory_space<vmem>>) dst(%dma_wait3A_135 : memref<10000x128xf32, #tpu.memory_space<vmem_shared>>)
      } else {
      }
      %parallel_loop3A = arith.constant 0 : i32
      %parallel_loop3A_81 = arith.constant 40 : i32
      %parallel_loop3A_82 = arith.constant 1 : i32
      scf.for %parallel_loop3A_128 = %parallel_loop3A to %parallel_loop3A_81 step %parallel_loop3A_82  : i32 {
        %parallel_loop3A_129 = arith.constant 40 : i32
        %parallel_loop3A_130 = arith.muli %mul3A_71, %parallel_loop3A_129 : i32
        %parallel_loop3A_131 = arith.addi %parallel_loop3A_130, %parallel_loop3A_128 : i32
        %parallel_loop3A_132 = vector.broadcast %parallel_loop3A_131 : i32 to vector<16xi32>
        %parallel_loop3A_133 = tpu.vector_load_idx %arg10[%parallel_loop3A_132] : memref<10000xf32, #tpu.memory_space<vmem>>[vector<16xi32>], vector<16xf32>,
        %parallel_loop3A_134 = arith.index_cast %parallel_loop3A_128 : i32 to index
        %parallel_loop3A_135 = arith.constant 0 : index
        %parallel_loop3A_136 = tpu.vector_load %arg11[%parallel_loop3A_134, %parallel_loop3A_135] {strides = array<i32>} : memref<40x128xf32, #tpu.memory_space<vmem>>, vector<16xf32>,
        %parallel_loop3A_137 = arith.mulf %parallel_loop3A_136, %parallel_loop3A_133 : vector<16xf32>
        %parallel_loop3A_138 = arith.index_cast %parallel_loop3A_128 : i32 to index
        %parallel_loop3A_139 = arith.constant 0 : index
        %parallel_loop3A_140 = tpu.vector_load %arg13[%parallel_loop3A_138, %parallel_loop3A_139] {strides = array<i32>} : memref<40x128xf32, #tpu.memory_space<vmem>>, vector<16xf32>,
        tpu.vector_store %arg13[%parallel_loop3A_138, %parallel_loop3A_139], %parallel_loop3A_137 {strides = array<i32>} : memref<40x128xf32, #tpu.memory_space<vmem>>, vector<16xf32>,
        %parallel_loop3A_141 = arith.index_cast %parallel_loop3A_128 : i32 to index
        %parallel_loop3A_142 = arith.constant 16 : index
        %parallel_loop3A_143 = tpu.vector_load %arg11[%parallel_loop3A_141, %parallel_loop3A_142] {strides = array<i32>} : memref<40x128xf32, #tpu.memory_space<vmem>>, vector<16xf32>,
        %parallel_loop3A_144 = arith.mulf %parallel_loop3A_143, %parallel_loop3A_133 : vector<16xf32>
        %parallel_loop3A_145 = arith.index_cast %parallel_loop3A_128 : i32 to index
        %parallel_loop3A_146 = arith.constant 16 : index
        %parallel_loop3A_147 = tpu.vector_load %arg13[%parallel_loop3A_145, %parallel_loop3A_146] {strides = array<i32>} : memref<40x128xf32, #tpu.memory_space<vmem>>, vector<16xf32>,
        tpu.vector_store %arg13[%parallel_loop3A_145, %parallel_loop3A_146], %parallel_loop3A_144 {strides = array<i32>} : memref<40x128xf32, #tpu.memory_space<vmem>>, vector<16xf32>,
        %parallel_loop3A_148 = arith.index_cast %parallel_loop3A_128 : i32 to index
        %parallel_loop3A_149 = arith.constant 32 : index
        %parallel_loop3A_150 = tpu.vector_load %arg11[%parallel_loop3A_148, %parallel_loop3A_149] {strides = array<i32>} : memref<40x128xf32, #tpu.memory_space<vmem>>, vector<16xf32>,
        %parallel_loop3A_151 = arith.mulf %parallel_loop3A_150, %parallel_loop3A_133 : vector<16xf32>
        %parallel_loop3A_152 = arith.index_cast %parallel_loop3A_128 : i32 to index
        %parallel_loop3A_153 = arith.constant 32 : index
        %parallel_loop3A_154 = tpu.vector_load %arg13[%parallel_loop3A_152, %parallel_loop3A_153] {strides = array<i32>} : memref<40x128xf32, #tpu.memory_space<vmem>>, vector<16xf32>,
        tpu.vector_store %arg13[%parallel_loop3A_152, %parallel_loop3A_153], %parallel_loop3A_151 {strides = array<i32>} : memref<40x128xf32, #tpu.memory_space<vmem>>, vector<16xf32>,
        %parallel_loop3A_155 = arith.index_cast %parallel_loop3A_128 : i32 to index
        %parallel_loop3A_156 = arith.constant 48 : index
        %parallel_loop3A_157 = tpu.vector_load %arg11[%parallel_loop3A_155, %parallel_loop3A_156] {strides = array<i32>} : memref<40x128xf32, #tpu.memory_space<vmem>>, vector<16xf32>,
        %parallel_loop3A_158 = arith.mulf %parallel_loop3A_157, %parallel_loop3A_133 : vector<16xf32>
        %parallel_loop3A_159 = arith.index_cast %parallel_loop3A_128 : i32 to index
        %parallel_loop3A_160 = arith.constant 48 : index
        %parallel_loop3A_161 = tpu.vector_load %arg13[%parallel_loop3A_159, %parallel_loop3A_160] {strides = array<i32>} : memref<40x128xf32, #tpu.memory_space<vmem>>, vector<16xf32>,
        tpu.vector_store %arg13[%parallel_loop3A_159, %parallel_loop3A_160], %parallel_loop3A_158 {strides = array<i32>} : memref<40x128xf32, #tpu.memory_space<vmem>>, vector<16xf32>,
        %parallel_loop3A_162 = arith.index_cast %parallel_loop3A_128 : i32 to index
        %parallel_loop3A_163 = arith.constant 64 : index
        %parallel_loop3A_164 = tpu.vector_load %arg11[%parallel_loop3A_162, %parallel_loop3A_163] {strides = array<i32>} : memref<40x128xf32, #tpu.memory_space<vmem>>, vector<16xf32>,
        %parallel_loop3A_165 = arith.mulf %parallel_loop3A_164, %parallel_loop3A_133 : vector<16xf32>
        %parallel_loop3A_166 = arith.index_cast %parallel_loop3A_128 : i32 to index
        %parallel_loop3A_167 = arith.constant 64 : index
        %parallel_loop3A_168 = tpu.vector_load %arg13[%parallel_loop3A_166, %parallel_loop3A_167] {strides = array<i32>} : memref<40x128xf32, #tpu.memory_space<vmem>>, vector<16xf32>,
        tpu.vector_store %arg13[%parallel_loop3A_166, %parallel_loop3A_167], %parallel_loop3A_165 {strides = array<i32>} : memref<40x128xf32, #tpu.memory_space<vmem>>, vector<16xf32>,
        %parallel_loop3A_169 = arith.index_cast %parallel_loop3A_128 : i32 to index
        %parallel_loop3A_170 = arith.constant 80 : index
        %parallel_loop3A_171 = tpu.vector_load %arg11[%parallel_loop3A_169, %parallel_loop3A_170] {strides = array<i32>} : memref<40x128xf32, #tpu.memory_space<vmem>>, vector<16xf32>,
        %parallel_loop3A_172 = arith.mulf %parallel_loop3A_171, %parallel_loop3A_133 : vector<16xf32>
        %parallel_loop3A_173 = arith.index_cast %parallel_loop3A_128 : i32 to index
        %parallel_loop3A_174 = arith.constant 80 : index
        %parallel_loop3A_175 = tpu.vector_load %arg13[%parallel_loop3A_173, %parallel_loop3A_174] {strides = array<i32>} : memref<40x128xf32, #tpu.memory_space<vmem>>, vector<16xf32>,
        tpu.vector_store %arg13[%parallel_loop3A_173, %parallel_loop3A_174], %parallel_loop3A_172 {strides = array<i32>} : memref<40x128xf32, #tpu.memory_space<vmem>>, vector<16xf32>,
        %parallel_loop3A_176 = arith.index_cast %parallel_loop3A_128 : i32 to index
        %parallel_loop3A_177 = arith.constant 96 : index
        %parallel_loop3A_178 = tpu.vector_load %arg11[%parallel_loop3A_176, %parallel_loop3A_177] {strides = array<i32>} : memref<40x128xf32, #tpu.memory_space<vmem>>, vector<16xf32>,
        %parallel_loop3A_179 = arith.mulf %parallel_loop3A_178, %parallel_loop3A_133 : vector<16xf32>
        %parallel_loop3A_180 = arith.index_cast %parallel_loop3A_128 : i32 to index
        %parallel_loop3A_181 = arith.constant 96 : index
        %parallel_loop3A_182 = tpu.vector_load %arg13[%parallel_loop3A_180, %parallel_loop3A_181] {strides = array<i32>} : memref<40x128xf32, #tpu.memory_space<vmem>>, vector<16xf32>,
        tpu.vector_store %arg13[%parallel_loop3A_180, %parallel_loop3A_181], %parallel_loop3A_179 {strides = array<i32>} : memref<40x128xf32, #tpu.memory_space<vmem>>, vector<16xf32>,
        %parallel_loop3A_183 = arith.index_cast %parallel_loop3A_128 : i32 to index
        %parallel_loop3A_184 = arith.constant 112 : index
        %parallel_loop3A_185 = tpu.vector_load %arg11[%parallel_loop3A_183, %parallel_loop3A_184] {strides = array<i32>} : memref<40x128xf32, #tpu.memory_space<vmem>>, vector<16xf32>,
        %parallel_loop3A_186 = arith.mulf %parallel_loop3A_185, %parallel_loop3A_133 : vector<16xf32>
        %parallel_loop3A_187 = arith.index_cast %parallel_loop3A_128 : i32 to index
        %parallel_loop3A_188 = arith.constant 112 : index
        %parallel_loop3A_189 = tpu.vector_load %arg13[%parallel_loop3A_187, %parallel_loop3A_188] {strides = array<i32>} : memref<40x128xf32, #tpu.memory_space<vmem>>, vector<16xf32>,
        tpu.vector_store %arg13[%parallel_loop3A_187, %parallel_loop3A_188], %parallel_loop3A_186 {strides = array<i32>} : memref<40x128xf32, #tpu.memory_space<vmem>>, vector<16xf32>,
      } {sc.loop_unroll_factor = 1 : i64, sc.parallel_access}
      %mul3A_83 = arith.constant 40 : i32
      %mul3A_84 = arith.muli %mul3A_71, %mul3A_83 : i32
      %dma_start3A_85 = tpu.memref_slice %arg9[%mul3A_84] : memref<10000xi32, #tpu.memory_space<vmem>> -> memref<40xi32, #tpu.memory_space<vmem>>
      %dma_start3A_86 = arith.constant 0 : i32
      %dma_start3A_87 = arith.constant 0 : i32
      %dma_start3A_88 = tpu.memref_slice %arg7[%dma_start3A_86, %dma_start3A_87] : memref<10000x128xf32, #tpu.memory_space<vmem_shared>> -> memref<10000x128xf32, #tpu.memory_space<vmem_shared>>
      tpu.enqueue_indirect_dma source(%arg13 : memref<40x128xf32, #tpu.memory_space<vmem>>) target(%dma_start3A_88 : memref<10000x128xf32, #tpu.memory_space<vmem_shared>>) offsets(%dma_start3A_85 : memref<40xi32, #tpu.memory_space<vmem>>) semaphore(%arg17 : memref<!tpu.dma_semaphore, #tpu.memory_space<semaphore_mem>>) {add = true}
      %add3A_89 = arith.constant 2 : i32
      %add3A_90 = arith.addi %mul3A_71, %add3A_89 : i32
      %lt3A = arith.constant 250 : i32
      %lt3A_91 = arith.cmpi slt, %add3A_90, %lt3A : i32
      %convert_element_type3A_92 = arith.extui %lt3A_91 : i1 to i32
      %cond3A_93 = arith.constant 0 : i32
      %cond3A_94 = arith.cmpi ne, %convert_element_type3A_92, %cond3A_93 : i32
      scf.if %cond3A_94 {
        %add3A_128 = arith.constant 2 : i32
        %add3A_129 = arith.addi %mul3A_71, %add3A_128 : i32
        %mul3A_130 = arith.constant 40 : i32
        %mul3A_131 = arith.muli %add3A_129, %mul3A_130 : i32
        %dma_start3A_132 = tpu.memref_slice %arg8[%mul3A_131] : memref<10000xi32, #tpu.memory_space<vmem>> -> memref<40xi32, #tpu.memory_space<vmem>>
        %dma_start3A_133 = arith.constant 0 : i32
        %dma_start3A_134 = arith.constant 0 : i32
        %dma_start3A_135 = tpu.memref_slice %arg2[%dma_start3A_133, %dma_start3A_134] : memref<10000x128xf32, #tpu.memory_space<hbm>> -> memref<10000x128xf32, #tpu.memory_space<hbm>>
        tpu.enqueue_indirect_dma source(%dma_start3A_135 : memref<10000x128xf32, #tpu.memory_space<hbm>>) target(%arg11 : memref<40x128xf32, #tpu.memory_space<vmem>>) offsets(%dma_start3A_132 : memref<40xi32, #tpu.memory_space<vmem>>) semaphore(%arg15 : memref<!tpu.dma_semaphore, #tpu.memory_space<semaphore_mem>>)
      } else {
      }
      %mul3A_95 = arith.constant 2 : i32
      %mul3A_96 = arith.muli %mul3A_95, %add3A_69 : i32
      %add3A_97 = arith.constant 1 : i32
      %add3A_98 = arith.addi %mul3A_96, %add3A_97 : i32
      %eq3A_99 = arith.constant 0 : i32
      %eq3A_100 = arith.cmpi eq, %add3A_69, %eq3A_99 : i32
      %mul3A_101 = arith.constant 40 : i32
      %mul3A_102 = arith.muli %add3A_98, %mul3A_101 : i32
      %dma_wait3A_103 = tpu.memref_slice %arg8[%mul3A_102] : memref<10000xi32, #tpu.memory_space<vmem>> -> memref<40xi32, #tpu.memory_space<vmem>>
      %dma_wait3A_104 = arith.constant 0 : i32
      %dma_wait3A_105 = arith.constant 0 : i32
      %dma_wait3A_106 = tpu.memref_slice %arg2[%dma_wait3A_104, %dma_wait3A_105] : memref<10000x128xf32, #tpu.memory_space<hbm>> -> memref<10000x128xf32, #tpu.memory_space<hbm>>
      tpu.wait_indirect_dma semaphore(%arg16 : memref<!tpu.dma_semaphore, #tpu.memory_space<semaphore_mem>>) src(%dma_wait3A_106 : memref<10000x128xf32, #tpu.memory_space<hbm>>) dst(%arg12 : memref<40x128xf32, #tpu.memory_space<vmem>>)
      %not3A_107 = arith.constant true
      %not3A_108 = arith.xori %eq3A_100, %not3A_107 : i1
      %convert_element_type3A_109 = arith.extui %not3A_108 : i1 to i32
      %cond3A_110 = arith.constant 0 : i32
      %cond3A_111 = arith.cmpi ne, %convert_element_type3A_109, %cond3A_110 : i32
      scf.if %cond3A_111 {
        %sub3A_128 = arith.constant 2 : i32
        %sub3A_129 = arith.subi %add3A_98, %sub3A_128 : i32
        %mul3A_130 = arith.constant 40 : i32
        %mul3A_131 = arith.muli %sub3A_129, %mul3A_130 : i32
        %dma_wait3A_132 = tpu.memref_slice %arg9[%mul3A_131] : memref<10000xi32, #tpu.memory_space<vmem>> -> memref<40xi32, #tpu.memory_space<vmem>>
        %dma_wait3A_133 = arith.constant 0 : i32
        %dma_wait3A_134 = arith.constant 0 : i32
        %dma_wait3A_135 = tpu.memref_slice %arg7[%dma_wait3A_133, %dma_wait3A_134] : memref<10000x128xf32, #tpu.memory_space<vmem_shared>> -> memref<10000x128xf32, #tpu.memory_space<vmem_shared>>
        tpu.wait_indirect_dma semaphore(%arg18 : memref<!tpu.dma_semaphore, #tpu.memory_space<semaphore_mem>>) src(%arg14 : memref<40x128xf32, #tpu.memory_space<vmem>>) dst(%dma_wait3A_135 : memref<10000x128xf32, #tpu.memory_space<vmem_shared>>)
      } else {
      }
      %parallel_loop3A_112 = arith.constant 0 : i32
      %parallel_loop3A_113 = arith.constant 40 : i32
      %parallel_loop3A_114 = arith.constant 1 : i32
      scf.for %parallel_loop3A_128 = %parallel_loop3A_112 to %parallel_loop3A_113 step %parallel_loop3A_114  : i32 {
        %parallel_loop3A_129 = arith.constant 40 : i32
        %parallel_loop3A_130 = arith.muli %add3A_98, %parallel_loop3A_129 : i32
        %parallel_loop3A_131 = arith.addi %parallel_loop3A_130, %parallel_loop3A_128 : i32
        %parallel_loop3A_132 = vector.broadcast %parallel_loop3A_131 : i32 to vector<16xi32>
        %parallel_loop3A_133 = tpu.vector_load_idx %arg10[%parallel_loop3A_132] : memref<10000xf32, #tpu.memory_space<vmem>>[vector<16xi32>], vector<16xf32>,
        %parallel_loop3A_134 = arith.index_cast %parallel_loop3A_128 : i32 to index
        %parallel_loop3A_135 = arith.constant 0 : index
        %parallel_loop3A_136 = tpu.vector_load %arg12[%parallel_loop3A_134, %parallel_loop3A_135] {strides = array<i32>} : memref<40x128xf32, #tpu.memory_space<vmem>>, vector<16xf32>,
        %parallel_loop3A_137 = arith.mulf %parallel_loop3A_136, %parallel_loop3A_133 : vector<16xf32>
        %parallel_loop3A_138 = arith.index_cast %parallel_loop3A_128 : i32 to index
        %parallel_loop3A_139 = arith.constant 0 : index
        %parallel_loop3A_140 = tpu.vector_load %arg14[%parallel_loop3A_138, %parallel_loop3A_139] {strides = array<i32>} : memref<40x128xf32, #tpu.memory_space<vmem>>, vector<16xf32>,
        tpu.vector_store %arg14[%parallel_loop3A_138, %parallel_loop3A_139], %parallel_loop3A_137 {strides = array<i32>} : memref<40x128xf32, #tpu.memory_space<vmem>>, vector<16xf32>,
        %parallel_loop3A_141 = arith.index_cast %parallel_loop3A_128 : i32 to index
        %parallel_loop3A_142 = arith.constant 16 : index
        %parallel_loop3A_143 = tpu.vector_load %arg12[%parallel_loop3A_141, %parallel_loop3A_142] {strides = array<i32>} : memref<40x128xf32, #tpu.memory_space<vmem>>, vector<16xf32>,
        %parallel_loop3A_144 = arith.mulf %parallel_loop3A_143, %parallel_loop3A_133 : vector<16xf32>
        %parallel_loop3A_145 = arith.index_cast %parallel_loop3A_128 : i32 to index
        %parallel_loop3A_146 = arith.constant 16 : index
        %parallel_loop3A_147 = tpu.vector_load %arg14[%parallel_loop3A_145, %parallel_loop3A_146] {strides = array<i32>} : memref<40x128xf32, #tpu.memory_space<vmem>>, vector<16xf32>,
        tpu.vector_store %arg14[%parallel_loop3A_145, %parallel_loop3A_146], %parallel_loop3A_144 {strides = array<i32>} : memref<40x128xf32, #tpu.memory_space<vmem>>, vector<16xf32>,
        %parallel_loop3A_148 = arith.index_cast %parallel_loop3A_128 : i32 to index
        %parallel_loop3A_149 = arith.constant 32 : index
        %parallel_loop3A_150 = tpu.vector_load %arg12[%parallel_loop3A_148, %parallel_loop3A_149] {strides = array<i32>} : memref<40x128xf32, #tpu.memory_space<vmem>>, vector<16xf32>,
        %parallel_loop3A_151 = arith.mulf %parallel_loop3A_150, %parallel_loop3A_133 : vector<16xf32>
        %parallel_loop3A_152 = arith.index_cast %parallel_loop3A_128 : i32 to index
        %parallel_loop3A_153 = arith.constant 32 : index
        %parallel_loop3A_154 = tpu.vector_load %arg14[%parallel_loop3A_152, %parallel_loop3A_153] {strides = array<i32>} : memref<40x128xf32, #tpu.memory_space<vmem>>, vector<16xf32>,
        tpu.vector_store %arg14[%parallel_loop3A_152, %parallel_loop3A_153], %parallel_loop3A_151 {strides = array<i32>} : memref<40x128xf32, #tpu.memory_space<vmem>>, vector<16xf32>,
        %parallel_loop3A_155 = arith.index_cast %parallel_loop3A_128 : i32 to index
        %parallel_loop3A_156 = arith.constant 48 : index
        %parallel_loop3A_157 = tpu.vector_load %arg12[%parallel_loop3A_155, %parallel_loop3A_156] {strides = array<i32>} : memref<40x128xf32, #tpu.memory_space<vmem>>, vector<16xf32>,
        %parallel_loop3A_158 = arith.mulf %parallel_loop3A_157, %parallel_loop3A_133 : vector<16xf32>
        %parallel_loop3A_159 = arith.index_cast %parallel_loop3A_128 : i32 to index
        %parallel_loop3A_160 = arith.constant 48 : index
        %parallel_loop3A_161 = tpu.vector_load %arg14[%parallel_loop3A_159, %parallel_loop3A_160] {strides = array<i32>} : memref<40x128xf32, #tpu.memory_space<vmem>>, vector<16xf32>,
        tpu.vector_store %arg14[%parallel_loop3A_159, %parallel_loop3A_160], %parallel_loop3A_158 {strides = array<i32>} : memref<40x128xf32, #tpu.memory_space<vmem>>, vector<16xf32>,
        %parallel_loop3A_162 = arith.index_cast %parallel_loop3A_128 : i32 to index
        %parallel_loop3A_163 = arith.constant 64 : index
        %parallel_loop3A_164 = tpu.vector_load %arg12[%parallel_loop3A_162, %parallel_loop3A_163] {strides = array<i32>} : memref<40x128xf32, #tpu.memory_space<vmem>>, vector<16xf32>,
        %parallel_loop3A_165 = arith.mulf %parallel_loop3A_164, %parallel_loop3A_133 : vector<16xf32>
        %parallel_loop3A_166 = arith.index_cast %parallel_loop3A_128 : i32 to index
        %parallel_loop3A_167 = arith.constant 64 : index
        %parallel_loop3A_168 = tpu.vector_load %arg14[%parallel_loop3A_166, %parallel_loop3A_167] {strides = array<i32>} : memref<40x128xf32, #tpu.memory_space<vmem>>, vector<16xf32>,
        tpu.vector_store %arg14[%parallel_loop3A_166, %parallel_loop3A_167], %parallel_loop3A_165 {strides = array<i32>} : memref<40x128xf32, #tpu.memory_space<vmem>>, vector<16xf32>,
        %parallel_loop3A_169 = arith.index_cast %parallel_loop3A_128 : i32 to index
        %parallel_loop3A_170 = arith.constant 80 : index
        %parallel_loop3A_171 = tpu.vector_load %arg12[%parallel_loop3A_169, %parallel_loop3A_170] {strides = array<i32>} : memref<40x128xf32, #tpu.memory_space<vmem>>, vector<16xf32>,
        %parallel_loop3A_172 = arith.mulf %parallel_loop3A_171, %parallel_loop3A_133 : vector<16xf32>
        %parallel_loop3A_173 = arith.index_cast %parallel_loop3A_128 : i32 to index
        %parallel_loop3A_174 = arith.constant 80 : index
        %parallel_loop3A_175 = tpu.vector_load %arg14[%parallel_loop3A_173, %parallel_loop3A_174] {strides = array<i32>} : memref<40x128xf32, #tpu.memory_space<vmem>>, vector<16xf32>,
        tpu.vector_store %arg14[%parallel_loop3A_173, %parallel_loop3A_174], %parallel_loop3A_172 {strides = array<i32>} : memref<40x128xf32, #tpu.memory_space<vmem>>, vector<16xf32>,
        %parallel_loop3A_176 = arith.index_cast %parallel_loop3A_128 : i32 to index
        %parallel_loop3A_177 = arith.constant 96 : index
        %parallel_loop3A_178 = tpu.vector_load %arg12[%parallel_loop3A_176, %parallel_loop3A_177] {strides = array<i32>} : memref<40x128xf32, #tpu.memory_space<vmem>>, vector<16xf32>,
        %parallel_loop3A_179 = arith.mulf %parallel_loop3A_178, %parallel_loop3A_133 : vector<16xf32>
        %parallel_loop3A_180 = arith.index_cast %parallel_loop3A_128 : i32 to index
        %parallel_loop3A_181 = arith.constant 96 : index
        %parallel_loop3A_182 = tpu.vector_load %arg14[%parallel_loop3A_180, %parallel_loop3A_181] {strides = array<i32>} : memref<40x128xf32, #tpu.memory_space<vmem>>, vector<16xf32>,
        tpu.vector_store %arg14[%parallel_loop3A_180, %parallel_loop3A_181], %parallel_loop3A_179 {strides = array<i32>} : memref<40x128xf32, #tpu.memory_space<vmem>>, vector<16xf32>,
        %parallel_loop3A_183 = arith.index_cast %parallel_loop3A_128 : i32 to index
        %parallel_loop3A_184 = arith.constant 112 : index
        %parallel_loop3A_185 = tpu.vector_load %arg12[%parallel_loop3A_183, %parallel_loop3A_184] {strides = array<i32>} : memref<40x128xf32, #tpu.memory_space<vmem>>, vector<16xf32>,
        %parallel_loop3A_186 = arith.mulf %parallel_loop3A_185, %parallel_loop3A_133 : vector<16xf32>
        %parallel_loop3A_187 = arith.index_cast %parallel_loop3A_128 : i32 to index
        %parallel_loop3A_188 = arith.constant 112 : index
        %parallel_loop3A_189 = tpu.vector_load %arg14[%parallel_loop3A_187, %parallel_loop3A_188] {strides = array<i32>} : memref<40x128xf32, #tpu.memory_space<vmem>>, vector<16xf32>,
        tpu.vector_store %arg14[%parallel_loop3A_187, %parallel_loop3A_188], %parallel_loop3A_186 {strides = array<i32>} : memref<40x128xf32, #tpu.memory_space<vmem>>, vector<16xf32>,
      } {sc.loop_unroll_factor = 1 : i64, sc.parallel_access}
      %mul3A_115 = arith.constant 40 : i32
      %mul3A_116 = arith.muli %add3A_98, %mul3A_115 : i32
      %dma_start3A_117 = tpu.memref_slice %arg9[%mul3A_116] : memref<10000xi32, #tpu.memory_space<vmem>> -> memref<40xi32, #tpu.memory_space<vmem>>
      %dma_start3A_118 = arith.constant 0 : i32
      %dma_start3A_119 = arith.constant 0 : i32
      %dma_start3A_120 = tpu.memref_slice %arg7[%dma_start3A_118, %dma_start3A_119] : memref<10000x128xf32, #tpu.memory_space<vmem_shared>> -> memref<10000x128xf32, #tpu.memory_space<vmem_shared>>
      tpu.enqueue_indirect_dma source(%arg14 : memref<40x128xf32, #tpu.memory_space<vmem>>) target(%dma_start3A_120 : memref<10000x128xf32, #tpu.memory_space<vmem_shared>>) offsets(%dma_start3A_117 : memref<40xi32, #tpu.memory_space<vmem>>) semaphore(%arg18 : memref<!tpu.dma_semaphore, #tpu.memory_space<semaphore_mem>>) {add = true}
      %add3A_121 = arith.constant 2 : i32
      %add3A_122 = arith.addi %add3A_98, %add3A_121 : i32
      %lt3A_123 = arith.constant 250 : i32
      %lt3A_124 = arith.cmpi slt, %add3A_122, %lt3A_123 : i32
      %convert_element_type3A_125 = arith.extui %lt3A_124 : i1 to i32
      %cond3A_126 = arith.constant 0 : i32
      %cond3A_127 = arith.cmpi ne, %convert_element_type3A_125, %cond3A_126 : i32
      scf.if %cond3A_127 {
        %add3A_128 = arith.constant 2 : i32
        %add3A_129 = arith.addi %add3A_98, %add3A_128 : i32
        %mul3A_130 = arith.constant 40 : i32
        %mul3A_131 = arith.muli %add3A_129, %mul3A_130 : i32
        %dma_start3A_132 = tpu.memref_slice %arg8[%mul3A_131] : memref<10000xi32, #tpu.memory_space<vmem>> -> memref<40xi32, #tpu.memory_space<vmem>>
        %dma_start3A_133 = arith.constant 0 : i32
        %dma_start3A_134 = arith.constant 0 : i32
        %dma_start3A_135 = tpu.memref_slice %arg2[%dma_start3A_133, %dma_start3A_134] : memref<10000x128xf32, #tpu.memory_space<hbm>> -> memref<10000x128xf32, #tpu.memory_space<hbm>>
        tpu.enqueue_indirect_dma source(%dma_start3A_135 : memref<10000x128xf32, #tpu.memory_space<hbm>>) target(%arg12 : memref<40x128xf32, #tpu.memory_space<vmem>>) offsets(%dma_start3A_132 : memref<40xi32, #tpu.memory_space<vmem>>) semaphore(%arg16 : memref<!tpu.dma_semaphore, #tpu.memory_space<semaphore_mem>>)
      } else {
      }
    }
    %scan3A_36 = arith.constant 125 : i32
    %dma_wait3A = arith.constant 9920 : i32
    %dma_wait3A_37 = tpu.memref_slice %arg9[%dma_wait3A] : memref<10000xi32, #tpu.memory_space<vmem>> -> memref<40xi32, #tpu.memory_space<vmem>>
    %dma_wait3A_38 = arith.constant 0 : i32
    %dma_wait3A_39 = arith.constant 0 : i32
    %dma_wait3A_40 = tpu.memref_slice %arg7[%dma_wait3A_38, %dma_wait3A_39] : memref<10000x128xf32, #tpu.memory_space<vmem_shared>> -> memref<10000x128xf32, #tpu.memory_space<vmem_shared>>
    tpu.wait_indirect_dma semaphore(%arg17 : memref<!tpu.dma_semaphore, #tpu.memory_space<semaphore_mem>>) src(%arg13 : memref<40x128xf32, #tpu.memory_space<vmem>>) dst(%dma_wait3A_40 : memref<10000x128xf32, #tpu.memory_space<vmem_shared>>)
    %dma_wait3A_41 = arith.constant 9960 : i32
    %dma_wait3A_42 = tpu.memref_slice %arg9[%dma_wait3A_41] : memref<10000xi32, #tpu.memory_space<vmem>> -> memref<40xi32, #tpu.memory_space<vmem>>
    %dma_wait3A_43 = arith.constant 0 : i32
    %dma_wait3A_44 = arith.constant 0 : i32
    %dma_wait3A_45 = tpu.memref_slice %arg7[%dma_wait3A_43, %dma_wait3A_44] : memref<10000x128xf32, #tpu.memory_space<vmem_shared>> -> memref<10000x128xf32, #tpu.memory_space<vmem_shared>>
    tpu.wait_indirect_dma semaphore(%arg18 : memref<!tpu.dma_semaphore, #tpu.memory_space<semaphore_mem>>) src(%arg14 : memref<40x128xf32, #tpu.memory_space<vmem>>) dst(%dma_wait3A_45 : memref<10000x128xf32, #tpu.memory_space<vmem_shared>>)
    %barrier3A_46 = arith.constant 0 : index
    tpu.barrier barrier_id(%barrier3A_46)
    %sub3A_47 = arith.constant 125 : i32
    %sub3A_48 = arith.subi %sub3A_47, %arg1 : i32
    %sub3A_49 = arith.constant 16 : i32
    %sub3A_50 = arith.constant 1 : i32
    %sub3A_51 = arith.subi %sub3A_49, %sub3A_50 : i32
    %add3A_52 = arith.addi %sub3A_48, %sub3A_51 : i32
    %div3A_53 = arith.constant 16 : i32
    %div3A_54 = arith.divsi %add3A_52, %div3A_53 : i32
    %while3A_55 = arith.constant 16 : i32
    %while3A_56 = arith.constant 0 : i32
    %while3A_57 = arith.subi %div3A_54, %while3A_56 : i32
    %while3A_58 = arith.addi %while3A_56, %while3A_57 : i32
    %while3A_59 = arith.constant 1 : i32
    %while3A_60 = arith.divsi %while3A_57, %while3A_59 : i32
    %while3A_61 = arith.muli %while3A_60, %while3A_59 : i32
    %while3A_62 = arith.addi %while3A_56, %while3A_61 : i32
    %while3A_63 = arith.constant 1 : i32
    scf.for %while3A_65 = %while3A_56 to %while3A_62 step %while3A_63  : i32 {
      %mul3A_66 = arith.muli %while3A_65, %while3A_55 : i32
      %add3A_67 = arith.addi %arg1, %mul3A_66 : i32
      %mul3A_68 = arith.constant 80 : i32
      %mul3A_69 = arith.muli %add3A_67, %mul3A_68 : i32
      %multiple_of3A_70 = tpu.assume_multiple %mul3A_69, 80 : i32
      "tpu.region"() ({
        %run_scoped3A = tpu.sem_alloc : memref<!tpu.dma_semaphore, #tpu.memory_space<semaphore_mem>>
        %dma_start3A_71 = arith.constant 0 : i32
        %dma_start3A_72 = tpu.memref_slice %arg6[%arg0, %multiple_of3A_70, %dma_start3A_71] : memref<2x10000x128xf32, #tpu.memory_space<hbm>> -> memref<1x80x128xf32, #tpu.memory_space<hbm>>
        %dma_start3A_73 = tpu.memref_squeeze %dma_start3A_72 : memref<1x80x128xf32, #tpu.memory_space<hbm>> -> memref<80x128xf32, #tpu.memory_space<hbm>>
        %dma_start3A_74 = arith.constant 0 : i32
        %dma_start3A_75 = tpu.memref_slice %arg7[%multiple_of3A_70, %dma_start3A_74] : memref<10000x128xf32, #tpu.memory_space<vmem_shared>> -> memref<80x128xf32, #tpu.memory_space<vmem_shared>>
        tpu.enqueue_dma source(%dma_start3A_75 : memref<80x128xf32, #tpu.memory_space<vmem_shared>>) target(%dma_start3A_73 : memref<80x128xf32, #tpu.memory_space<hbm>>) target_semaphore(%run_scoped3A : memref<!tpu.dma_semaphore, #tpu.memory_space<semaphore_mem>>)
        %dma_wait3A_76 = arith.constant 0 : i32
        %dma_wait3A_77 = tpu.memref_slice %arg6[%arg0, %multiple_of3A_70, %dma_wait3A_76] : memref<2x10000x128xf32, #tpu.memory_space<hbm>> -> memref<1x80x128xf32, #tpu.memory_space<hbm>>
        %dma_wait3A_78 = tpu.memref_squeeze %dma_wait3A_77 : memref<1x80x128xf32, #tpu.memory_space<hbm>> -> memref<80x128xf32, #tpu.memory_space<hbm>>
        %dma_wait3A_79 = arith.constant 0 : i32
        %dma_wait3A_80 = tpu.memref_slice %arg7[%multiple_of3A_70, %dma_wait3A_79] : memref<10000x128xf32, #tpu.memory_space<vmem_shared>> -> memref<80x128xf32, #tpu.memory_space<vmem_shared>>
        tpu.wait_dma2 semaphore(%run_scoped3A : memref<!tpu.dma_semaphore, #tpu.memory_space<semaphore_mem>>) src(%dma_wait3A_80 : memref<80x128xf32, #tpu.memory_space<vmem_shared>>) dst(%dma_wait3A_78 : memref<80x128xf32, #tpu.memory_space<hbm>>)
        tpu.yield
      }) : () -> ()
    }
    %while3A_64 = arith.constant 1 : i32
    scf.for %while3A_65 = %while3A_62 to %while3A_58 step %while3A_64  : i32 {
      %mul3A_66 = arith.muli %while3A_65, %while3A_55 : i32
      %add3A_67 = arith.addi %arg1, %mul3A_66 : i32
      %mul3A_68 = arith.constant 80 : i32
      %mul3A_69 = arith.muli %add3A_67, %mul3A_68 : i32
      %multiple_of3A_70 = tpu.assume_multiple %mul3A_69, 80 : i32
      "tpu.region"() ({
        %run_scoped3A = tpu.sem_alloc : memref<!tpu.dma_semaphore, #tpu.memory_space<semaphore_mem>>
        %dma_start3A_71 = arith.constant 0 : i32
        %dma_start3A_72 = tpu.memref_slice %arg6[%arg0, %multiple_of3A_70, %dma_start3A_71] : memref<2x10000x128xf32, #tpu.memory_space<hbm>> -> memref<1x80x128xf32, #tpu.memory_space<hbm>>
        %dma_start3A_73 = tpu.memref_squeeze %dma_start3A_72 : memref<1x80x128xf32, #tpu.memory_space<hbm>> -> memref<80x128xf32, #tpu.memory_space<hbm>>
        %dma_start3A_74 = arith.constant 0 : i32
        %dma_start3A_75 = tpu.memref_slice %arg7[%multiple_of3A_70, %dma_start3A_74] : memref<10000x128xf32, #tpu.memory_space<vmem_shared>> -> memref<80x128xf32, #tpu.memory_space<vmem_shared>>
        tpu.enqueue_dma source(%dma_start3A_75 : memref<80x128xf32, #tpu.memory_space<vmem_shared>>) target(%dma_start3A_73 : memref<80x128xf32, #tpu.memory_space<hbm>>) target_semaphore(%run_scoped3A : memref<!tpu.dma_semaphore, #tpu.memory_space<semaphore_mem>>)
        %dma_wait3A_76 = arith.constant 0 : i32
        %dma_wait3A_77 = tpu.memref_slice %arg6[%arg0, %multiple_of3A_70, %dma_wait3A_76] : memref<2x10000x128xf32, #tpu.memory_space<hbm>> -> memref<1x80x128xf32, #tpu.memory_space<hbm>>
        %dma_wait3A_78 = tpu.memref_squeeze %dma_wait3A_77 : memref<1x80x128xf32, #tpu.memory_space<hbm>> -> memref<80x128xf32, #tpu.memory_space<hbm>>
        %dma_wait3A_79 = arith.constant 0 : i32
        %dma_wait3A_80 = tpu.memref_slice %arg7[%multiple_of3A_70, %dma_wait3A_79] : memref<10000x128xf32, #tpu.memory_space<vmem_shared>> -> memref<80x128xf32, #tpu.memory_space<vmem_shared>>
        tpu.wait_dma2 semaphore(%run_scoped3A : memref<!tpu.dma_semaphore, #tpu.memory_space<semaphore_mem>>) src(%dma_wait3A_80 : memref<80x128xf32, #tpu.memory_space<vmem_shared>>) dst(%dma_wait3A_78 : memref<80x128xf32, #tpu.memory_space<hbm>>)
        tpu.yield
      }) : () -> ()
    }
    return
  }
}

#map = affine_map<(d0, d1) -> (0, 0)>
#map1 = affine_map<(d0, d1) -> (0)>
#map2 = affine_map<(d0, d1) -> (0, 0, 0)>
module attributes {stable_mosaic.version = 14 : i64} {
  func.func @phase(%arg0: i32, %arg1: i32, %arg2: memref<128x128xf32, #tpu.memory_space<hbm>>, %arg3: memref<320000xi32, #tpu.memory_space<hbm>>, %arg4: memref<320000xi32, #tpu.memory_space<hbm>>, %arg5: memref<320000xf32, #tpu.memory_space<hbm>>, %arg6: memref<2x10000x128xf32, #tpu.memory_space<hbm>>, %arg7: memref<10000x128xf32, #tpu.memory_space<vmem_shared>>, %arg8: memref<10000xi32, #tpu.memory_space<vmem>>, %arg9: memref<10000xi32, #tpu.memory_space<vmem>>, %arg10: memref<10000xf32, #tpu.memory_space<vmem>>, %arg11: memref<40x128xf32, #tpu.memory_space<vmem>>, %arg12: memref<40x128xf32, #tpu.memory_space<vmem>>, %arg13: memref<40x128xf32, #tpu.memory_space<vmem>>, %arg14: memref<40x128xf32, #tpu.memory_space<vmem>>, %arg15: memref<!tpu.dma_semaphore, #tpu.memory_space<semaphore_mem>>, %arg16: memref<!tpu.dma_semaphore, #tpu.memory_space<semaphore_mem>>, %arg17: memref<!tpu.dma_semaphore, #tpu.memory_space<semaphore_mem>>, %arg18: memref<!tpu.dma_semaphore, #tpu.memory_space<semaphore_mem>>) attributes {dimension_semantics = [#tpu.dimension_semantics<core_parallel>, #tpu.dimension_semantics<subcore_parallel>], iteration_bounds = array<i64: 2, 16>, scalar_prefetch = 0 : i64, scratch_operands = 12 : i64, tpu.core_type = #tpu.core_type<sc_vector_subcore>, window_params = [{transform_indices = #map}, {transform_indices = #map1}, {transform_indices = #map1}, {transform_indices = #map1}, {transform_indices = #map2}]} {
    %mul3A = arith.constant 16 : i32
    %mul3A_0 = arith.muli %arg0, %mul3A : i32
    %add3A = arith.addi %mul3A_0, %arg1 : i32
    %mul3A_1 = arith.constant 10000 : i32
    %mul3A_2 = arith.muli %add3A, %mul3A_1 : i32
    %multiple_of3A = tpu.assume_multiple %mul3A_2, 10000 : i32
    "tpu.region"() ({
      %run_scoped3A = tpu.sem_alloc : memref<!tpu.dma_semaphore, #tpu.memory_space<semaphore_mem>>
      %dma_start3A_65 = tpu.memref_slice %arg3[%multiple_of3A] : memref<320000xi32, #tpu.memory_space<hbm>> -> memref<10000xi32, #tpu.memory_space<hbm>>
      %dma_start3A_66 = tpu.memref_slice %arg3[%multiple_of3A] : memref<320000xi32, #tpu.memory_space<hbm>> -> memref<10000xi32, #tpu.memory_space<hbm>>
      tpu.enqueue_dma source(%dma_start3A_66 : memref<10000xi32, #tpu.memory_space<hbm>>) target(%arg8 : memref<10000xi32, #tpu.memory_space<vmem>>) target_semaphore(%run_scoped3A : memref<!tpu.dma_semaphore, #tpu.memory_space<semaphore_mem>>)
      %dma_wait3A_67 = tpu.memref_slice %arg3[%multiple_of3A] : memref<320000xi32, #tpu.memory_space<hbm>> -> memref<10000xi32, #tpu.memory_space<hbm>>
      %dma_wait3A_68 = tpu.memref_slice %arg3[%multiple_of3A] : memref<320000xi32, #tpu.memory_space<hbm>> -> memref<10000xi32, #tpu.memory_space<hbm>>
      tpu.wait_dma2 semaphore(%run_scoped3A : memref<!tpu.dma_semaphore, #tpu.memory_space<semaphore_mem>>) src(%dma_wait3A_68 : memref<10000xi32, #tpu.memory_space<hbm>>) dst(%arg8 : memref<10000xi32, #tpu.memory_space<vmem>>)
      tpu.yield
    }) : () -> ()
    "tpu.region"() ({
      %run_scoped3A = tpu.sem_alloc : memref<!tpu.dma_semaphore, #tpu.memory_space<semaphore_mem>>
      %dma_start3A_65 = tpu.memref_slice %arg4[%multiple_of3A] : memref<320000xi32, #tpu.memory_space<hbm>> -> memref<10000xi32, #tpu.memory_space<hbm>>
      %dma_start3A_66 = tpu.memref_slice %arg4[%multiple_of3A] : memref<320000xi32, #tpu.memory_space<hbm>> -> memref<10000xi32, #tpu.memory_space<hbm>>
      tpu.enqueue_dma source(%dma_start3A_66 : memref<10000xi32, #tpu.memory_space<hbm>>) target(%arg9 : memref<10000xi32, #tpu.memory_space<vmem>>) target_semaphore(%run_scoped3A : memref<!tpu.dma_semaphore, #tpu.memory_space<semaphore_mem>>)
      %dma_wait3A_67 = tpu.memref_slice %arg4[%multiple_of3A] : memref<320000xi32, #tpu.memory_space<hbm>> -> memref<10000xi32, #tpu.memory_space<hbm>>
      %dma_wait3A_68 = tpu.memref_slice %arg4[%multiple_of3A] : memref<320000xi32, #tpu.memory_space<hbm>> -> memref<10000xi32, #tpu.memory_space<hbm>>
      tpu.wait_dma2 semaphore(%run_scoped3A : memref<!tpu.dma_semaphore, #tpu.memory_space<semaphore_mem>>) src(%dma_wait3A_68 : memref<10000xi32, #tpu.memory_space<hbm>>) dst(%arg9 : memref<10000xi32, #tpu.memory_space<vmem>>)
      tpu.yield
    }) : () -> ()
    "tpu.region"() ({
      %run_scoped3A = tpu.sem_alloc : memref<!tpu.dma_semaphore, #tpu.memory_space<semaphore_mem>>
      %dma_start3A_65 = tpu.memref_slice %arg5[%multiple_of3A] : memref<320000xf32, #tpu.memory_space<hbm>> -> memref<10000xf32, #tpu.memory_space<hbm>>
      %dma_start3A_66 = tpu.memref_slice %arg5[%multiple_of3A] : memref<320000xf32, #tpu.memory_space<hbm>> -> memref<10000xf32, #tpu.memory_space<hbm>>
      tpu.enqueue_dma source(%dma_start3A_66 : memref<10000xf32, #tpu.memory_space<hbm>>) target(%arg10 : memref<10000xf32, #tpu.memory_space<vmem>>) target_semaphore(%run_scoped3A : memref<!tpu.dma_semaphore, #tpu.memory_space<semaphore_mem>>)
      %dma_wait3A_67 = tpu.memref_slice %arg5[%multiple_of3A] : memref<320000xf32, #tpu.memory_space<hbm>> -> memref<10000xf32, #tpu.memory_space<hbm>>
      %dma_wait3A_68 = tpu.memref_slice %arg5[%multiple_of3A] : memref<320000xf32, #tpu.memory_space<hbm>> -> memref<10000xf32, #tpu.memory_space<hbm>>
      tpu.wait_dma2 semaphore(%run_scoped3A : memref<!tpu.dma_semaphore, #tpu.memory_space<semaphore_mem>>) src(%dma_wait3A_68 : memref<10000xf32, #tpu.memory_space<hbm>>) dst(%arg10 : memref<10000xf32, #tpu.memory_space<vmem>>)
      tpu.yield
    }) : () -> ()
    %broadcast_in_dim3A = arith.constant 0.000000e+00 : f32
    %broadcast_in_dim3A_3 = vector.broadcast %broadcast_in_dim3A : f32 to vector<16xf32>
    %scan3A = arith.constant 0 : i32
    %scan3A_4 = arith.constant 80 : i32
    %scan3A_5 = arith.addi %scan3A, %scan3A_4 : i32
    %scan3A_6 = arith.constant 1 : i32
    scf.for %scan3A_65 = %scan3A to %scan3A_5 step %scan3A_6  : i32 {
      %mul3A_66 = arith.constant 1 : i32
      %mul3A_67 = arith.muli %scan3A_65, %mul3A_66 : i32
      %add3A_68 = arith.constant 0 : i32
      %add3A_69 = arith.addi %add3A_68, %mul3A_67 : i32
      %swap3A = arith.index_cast %add3A_69 : i32 to index
      %swap3A_70 = arith.constant 0 : index
      %swap3A_71 = tpu.vector_load %arg13[%swap3A, %swap3A_70] {strides = array<i32>} : memref<40x128xf32, #tpu.memory_space<vmem>>, vector<16xf32>,
      tpu.vector_store %arg13[%swap3A, %swap3A_70], %broadcast_in_dim3A_3 {strides = array<i32>} : memref<40x128xf32, #tpu.memory_space<vmem>>, vector<16xf32>,
      %swap3A_72 = arith.index_cast %add3A_69 : i32 to index
      %swap3A_73 = arith.constant 16 : index
      %swap3A_74 = tpu.vector_load %arg13[%swap3A_72, %swap3A_73] {strides = array<i32>} : memref<40x128xf32, #tpu.memory_space<vmem>>, vector<16xf32>,
      tpu.vector_store %arg13[%swap3A_72, %swap3A_73], %broadcast_in_dim3A_3 {strides = array<i32>} : memref<40x128xf32, #tpu.memory_space<vmem>>, vector<16xf32>,
      %swap3A_75 = arith.index_cast %add3A_69 : i32 to index
      %swap3A_76 = arith.constant 32 : index
      %swap3A_77 = tpu.vector_load %arg13[%swap3A_75, %swap3A_76] {strides = array<i32>} : memref<40x128xf32, #tpu.memory_space<vmem>>, vector<16xf32>,
      tpu.vector_store %arg13[%swap3A_75, %swap3A_76], %broadcast_in_dim3A_3 {strides = array<i32>} : memref<40x128xf32, #tpu.memory_space<vmem>>, vector<16xf32>,
      %swap3A_78 = arith.index_cast %add3A_69 : i32 to index
      %swap3A_79 = arith.constant 48 : index
      %swap3A_80 = tpu.vector_load %arg13[%swap3A_78, %swap3A_79] {strides = array<i32>} : memref<40x128xf32, #tpu.memory_space<vmem>>, vector<16xf32>,
      tpu.vector_store %arg13[%swap3A_78, %swap3A_79], %broadcast_in_dim3A_3 {strides = array<i32>} : memref<40x128xf32, #tpu.memory_space<vmem>>, vector<16xf32>,
      %swap3A_81 = arith.index_cast %add3A_69 : i32 to index
      %swap3A_82 = arith.constant 64 : index
      %swap3A_83 = tpu.vector_load %arg13[%swap3A_81, %swap3A_82] {strides = array<i32>} : memref<40x128xf32, #tpu.memory_space<vmem>>, vector<16xf32>,
      tpu.vector_store %arg13[%swap3A_81, %swap3A_82], %broadcast_in_dim3A_3 {strides = array<i32>} : memref<40x128xf32, #tpu.memory_space<vmem>>, vector<16xf32>,
      %swap3A_84 = arith.index_cast %add3A_69 : i32 to index
      %swap3A_85 = arith.constant 80 : index
      %swap3A_86 = tpu.vector_load %arg13[%swap3A_84, %swap3A_85] {strides = array<i32>} : memref<40x128xf32, #tpu.memory_space<vmem>>, vector<16xf32>,
      tpu.vector_store %arg13[%swap3A_84, %swap3A_85], %broadcast_in_dim3A_3 {strides = array<i32>} : memref<40x128xf32, #tpu.memory_space<vmem>>, vector<16xf32>,
      %swap3A_87 = arith.index_cast %add3A_69 : i32 to index
      %swap3A_88 = arith.constant 96 : index
      %swap3A_89 = tpu.vector_load %arg13[%swap3A_87, %swap3A_88] {strides = array<i32>} : memref<40x128xf32, #tpu.memory_space<vmem>>, vector<16xf32>,
      tpu.vector_store %arg13[%swap3A_87, %swap3A_88], %broadcast_in_dim3A_3 {strides = array<i32>} : memref<40x128xf32, #tpu.memory_space<vmem>>, vector<16xf32>,
      %swap3A_90 = arith.index_cast %add3A_69 : i32 to index
      %swap3A_91 = arith.constant 112 : index
      %swap3A_92 = tpu.vector_load %arg13[%swap3A_90, %swap3A_91] {strides = array<i32>} : memref<40x128xf32, #tpu.memory_space<vmem>>, vector<16xf32>,
      tpu.vector_store %arg13[%swap3A_90, %swap3A_91], %broadcast_in_dim3A_3 {strides = array<i32>} : memref<40x128xf32, #tpu.memory_space<vmem>>, vector<16xf32>,
    }
    %scan3A_7 = arith.constant 80 : i32
    %sub3A = arith.constant 125 : i32
    %sub3A_8 = arith.subi %sub3A, %arg1 : i32
    %sub3A_9 = arith.constant 16 : i32
    %sub3A_10 = arith.constant 1 : i32
    %sub3A_11 = arith.subi %sub3A_9, %sub3A_10 : i32
    %add3A_12 = arith.addi %sub3A_8, %sub3A_11 : i32
    %div3A = arith.constant 16 : i32
    %div3A_13 = arith.divsi %add3A_12, %div3A : i32
    %while3A = arith.constant 16 : i32
    %while3A_14 = arith.constant 0 : i32
    %while3A_15 = arith.subi %div3A_13, %while3A_14 : i32
    %while3A_16 = arith.addi %while3A_14, %while3A_15 : i32
    %while3A_17 = arith.constant 1 : i32
    %while3A_18 = arith.divsi %while3A_15, %while3A_17 : i32
    %while3A_19 = arith.muli %while3A_18, %while3A_17 : i32
    %while3A_20 = arith.addi %while3A_14, %while3A_19 : i32
    %while3A_21 = arith.constant 1 : i32
    scf.for %while3A_65 = %while3A_14 to %while3A_20 step %while3A_21  : i32 {
      %mul3A_66 = arith.muli %while3A_65, %while3A : i32
      %add3A_67 = arith.addi %arg1, %mul3A_66 : i32
      %mul3A_68 = arith.constant 80 : i32
      %mul3A_69 = arith.muli %add3A_67, %mul3A_68 : i32
      %multiple_of3A_70 = tpu.assume_multiple %mul3A_69, 80 : i32
      "tpu.region"() ({
        %run_scoped3A = tpu.sem_alloc : memref<!tpu.dma_semaphore, #tpu.memory_space<semaphore_mem>>
        %dma_start3A_71 = arith.constant 0 : i32
        %dma_start3A_72 = arith.constant 0 : i32
        %dma_start3A_73 = tpu.memref_slice %arg13[%dma_start3A_71, %dma_start3A_72] : memref<40x128xf32, #tpu.memory_space<vmem>> -> memref<80x128xf32, #tpu.memory_space<vmem>>
        %dma_start3A_74 = arith.constant 0 : i32
        %dma_start3A_75 = tpu.memref_slice %arg7[%multiple_of3A_70, %dma_start3A_74] : memref<10000x128xf32, #tpu.memory_space<vmem_shared>> -> memref<80x128xf32, #tpu.memory_space<vmem_shared>>
        %dma_start3A_76 = arith.constant 0 : i32
        %dma_start3A_77 = tpu.memref_slice %arg7[%multiple_of3A_70, %dma_start3A_76] : memref<10000x128xf32, #tpu.memory_space<vmem_shared>> -> memref<80x128xf32, #tpu.memory_space<vmem_shared>>
        %dma_start3A_78 = arith.constant 0 : i32
        %dma_start3A_79 = arith.constant 0 : i32
        %dma_start3A_80 = tpu.memref_slice %arg13[%dma_start3A_78, %dma_start3A_79] : memref<40x128xf32, #tpu.memory_space<vmem>> -> memref<80x128xf32, #tpu.memory_space<vmem>>
        tpu.enqueue_dma source(%dma_start3A_80 : memref<80x128xf32, #tpu.memory_space<vmem>>) target(%dma_start3A_77 : memref<80x128xf32, #tpu.memory_space<vmem_shared>>) target_semaphore(%run_scoped3A : memref<!tpu.dma_semaphore, #tpu.memory_space<semaphore_mem>>)
        %dma_wait3A_81 = arith.constant 0 : i32
        %dma_wait3A_82 = arith.constant 0 : i32
        %dma_wait3A_83 = tpu.memref_slice %arg13[%dma_wait3A_81, %dma_wait3A_82] : memref<40x128xf32, #tpu.memory_space<vmem>> -> memref<80x128xf32, #tpu.memory_space<vmem>>
        %dma_wait3A_84 = arith.constant 0 : i32
        %dma_wait3A_85 = tpu.memref_slice %arg7[%multiple_of3A_70, %dma_wait3A_84] : memref<10000x128xf32, #tpu.memory_space<vmem_shared>> -> memref<80x128xf32, #tpu.memory_space<vmem_shared>>
        %dma_wait3A_86 = arith.constant 0 : i32
        %dma_wait3A_87 = tpu.memref_slice %arg7[%multiple_of3A_70, %dma_wait3A_86] : memref<10000x128xf32, #tpu.memory_space<vmem_shared>> -> memref<80x128xf32, #tpu.memory_space<vmem_shared>>
        %dma_wait3A_88 = arith.constant 0 : i32
        %dma_wait3A_89 = arith.constant 0 : i32
        %dma_wait3A_90 = tpu.memref_slice %arg13[%dma_wait3A_88, %dma_wait3A_89] : memref<40x128xf32, #tpu.memory_space<vmem>> -> memref<80x128xf32, #tpu.memory_space<vmem>>
        tpu.wait_dma2 semaphore(%run_scoped3A : memref<!tpu.dma_semaphore, #tpu.memory_space<semaphore_mem>>) src(%dma_wait3A_90 : memref<80x128xf32, #tpu.memory_space<vmem>>) dst(%dma_wait3A_87 : memref<80x128xf32, #tpu.memory_space<vmem_shared>>)
        tpu.yield
      }) : () -> ()
    }
    %while3A_22 = arith.constant 1 : i32
    scf.for %while3A_65 = %while3A_20 to %while3A_16 step %while3A_22  : i32 {
      %mul3A_66 = arith.muli %while3A_65, %while3A : i32
      %add3A_67 = arith.addi %arg1, %mul3A_66 : i32
      %mul3A_68 = arith.constant 80 : i32
      %mul3A_69 = arith.muli %add3A_67, %mul3A_68 : i32
      %multiple_of3A_70 = tpu.assume_multiple %mul3A_69, 80 : i32
      "tpu.region"() ({
        %run_scoped3A = tpu.sem_alloc : memref<!tpu.dma_semaphore, #tpu.memory_space<semaphore_mem>>
        %dma_start3A_71 = arith.constant 0 : i32
        %dma_start3A_72 = arith.constant 0 : i32
        %dma_start3A_73 = tpu.memref_slice %arg13[%dma_start3A_71, %dma_start3A_72] : memref<40x128xf32, #tpu.memory_space<vmem>> -> memref<80x128xf32, #tpu.memory_space<vmem>>
        %dma_start3A_74 = arith.constant 0 : i32
        %dma_start3A_75 = tpu.memref_slice %arg7[%multiple_of3A_70, %dma_start3A_74] : memref<10000x128xf32, #tpu.memory_space<vmem_shared>> -> memref<80x128xf32, #tpu.memory_space<vmem_shared>>
        %dma_start3A_76 = arith.constant 0 : i32
        %dma_start3A_77 = tpu.memref_slice %arg7[%multiple_of3A_70, %dma_start3A_76] : memref<10000x128xf32, #tpu.memory_space<vmem_shared>> -> memref<80x128xf32, #tpu.memory_space<vmem_shared>>
        %dma_start3A_78 = arith.constant 0 : i32
        %dma_start3A_79 = arith.constant 0 : i32
        %dma_start3A_80 = tpu.memref_slice %arg13[%dma_start3A_78, %dma_start3A_79] : memref<40x128xf32, #tpu.memory_space<vmem>> -> memref<80x128xf32, #tpu.memory_space<vmem>>
        tpu.enqueue_dma source(%dma_start3A_80 : memref<80x128xf32, #tpu.memory_space<vmem>>) target(%dma_start3A_77 : memref<80x128xf32, #tpu.memory_space<vmem_shared>>) target_semaphore(%run_scoped3A : memref<!tpu.dma_semaphore, #tpu.memory_space<semaphore_mem>>)
        %dma_wait3A_81 = arith.constant 0 : i32
        %dma_wait3A_82 = arith.constant 0 : i32
        %dma_wait3A_83 = tpu.memref_slice %arg13[%dma_wait3A_81, %dma_wait3A_82] : memref<40x128xf32, #tpu.memory_space<vmem>> -> memref<80x128xf32, #tpu.memory_space<vmem>>
        %dma_wait3A_84 = arith.constant 0 : i32
        %dma_wait3A_85 = tpu.memref_slice %arg7[%multiple_of3A_70, %dma_wait3A_84] : memref<10000x128xf32, #tpu.memory_space<vmem_shared>> -> memref<80x128xf32, #tpu.memory_space<vmem_shared>>
        %dma_wait3A_86 = arith.constant 0 : i32
        %dma_wait3A_87 = tpu.memref_slice %arg7[%multiple_of3A_70, %dma_wait3A_86] : memref<10000x128xf32, #tpu.memory_space<vmem_shared>> -> memref<80x128xf32, #tpu.memory_space<vmem_shared>>
        %dma_wait3A_88 = arith.constant 0 : i32
        %dma_wait3A_89 = arith.constant 0 : i32
        %dma_wait3A_90 = tpu.memref_slice %arg13[%dma_wait3A_88, %dma_wait3A_89] : memref<40x128xf32, #tpu.memory_space<vmem>> -> memref<80x128xf32, #tpu.memory_space<vmem>>
        tpu.wait_dma2 semaphore(%run_scoped3A : memref<!tpu.dma_semaphore, #tpu.memory_space<semaphore_mem>>) src(%dma_wait3A_90 : memref<80x128xf32, #tpu.memory_space<vmem>>) dst(%dma_wait3A_87 : memref<80x128xf32, #tpu.memory_space<vmem_shared>>)
        tpu.yield
      }) : () -> ()
    }
    %barrier3A = arith.constant 0 : index
    tpu.barrier barrier_id(%barrier3A)
    %dma_start3A = arith.constant 0 : i32
    %dma_start3A_23 = tpu.memref_slice %arg8[%dma_start3A] : memref<10000xi32, #tpu.memory_space<vmem>> -> memref<40xi32, #tpu.memory_space<vmem>>
    %dma_start3A_24 = arith.constant 0 : i32
    %dma_start3A_25 = arith.constant 0 : i32
    %dma_start3A_26 = tpu.memref_slice %arg2[%dma_start3A_24, %dma_start3A_25] : memref<128x128xf32, #tpu.memory_space<hbm>> -> memref<128x128xf32, #tpu.memory_space<hbm>>
    tpu.enqueue_indirect_dma source(%dma_start3A_26 : memref<128x128xf32, #tpu.memory_space<hbm>>) target(%arg11 : memref<40x128xf32, #tpu.memory_space<vmem>>) offsets(%dma_start3A_23 : memref<40xi32, #tpu.memory_space<vmem>>) semaphore(%arg15 : memref<!tpu.dma_semaphore, #tpu.memory_space<semaphore_mem>>)
    %dma_start3A_27 = arith.constant 40 : i32
    %dma_start3A_28 = tpu.memref_slice %arg8[%dma_start3A_27] : memref<10000xi32, #tpu.memory_space<vmem>> -> memref<40xi32, #tpu.memory_space<vmem>>
    %dma_start3A_29 = arith.constant 0 : i32
    %dma_start3A_30 = arith.constant 0 : i32
    %dma_start3A_31 = tpu.memref_slice %arg2[%dma_start3A_29, %dma_start3A_30] : memref<128x128xf32, #tpu.memory_space<hbm>> -> memref<128x128xf32, #tpu.memory_space<hbm>>
    tpu.enqueue_indirect_dma source(%dma_start3A_31 : memref<128x128xf32, #tpu.memory_space<hbm>>) target(%arg12 : memref<40x128xf32, #tpu.memory_space<vmem>>) offsets(%dma_start3A_28 : memref<40xi32, #tpu.memory_space<vmem>>) semaphore(%arg16 : memref<!tpu.dma_semaphore, #tpu.memory_space<semaphore_mem>>)
    %scan3A_32 = arith.constant 0 : i32
    %scan3A_33 = arith.constant 125 : i32
    %scan3A_34 = arith.addi %scan3A_32, %scan3A_33 : i32
    %scan3A_35 = arith.constant 1 : i32
    scf.for %scan3A_65 = %scan3A_32 to %scan3A_34 step %scan3A_35  : i32 {
      %mul3A_66 = arith.constant 1 : i32
      %mul3A_67 = arith.muli %scan3A_65, %mul3A_66 : i32
      %add3A_68 = arith.constant 0 : i32
      %add3A_69 = arith.addi %add3A_68, %mul3A_67 : i32
      %mul3A_70 = arith.constant 2 : i32
      %mul3A_71 = arith.muli %mul3A_70, %add3A_69 : i32
      %eq3A = arith.constant 0 : i32
      %eq3A_72 = arith.cmpi eq, %add3A_69, %eq3A : i32
      %mul3A_73 = arith.constant 40 : i32
      %mul3A_74 = arith.muli %mul3A_71, %mul3A_73 : i32
      %dma_wait3A_75 = tpu.memref_slice %arg8[%mul3A_74] : memref<10000xi32, #tpu.memory_space<vmem>> -> memref<40xi32, #tpu.memory_space<vmem>>
      %dma_wait3A_76 = arith.constant 0 : i32
      %dma_wait3A_77 = arith.constant 0 : i32
      %dma_wait3A_78 = tpu.memref_slice %arg2[%dma_wait3A_76, %dma_wait3A_77] : memref<128x128xf32, #tpu.memory_space<hbm>> -> memref<128x128xf32, #tpu.memory_space<hbm>>
      tpu.wait_indirect_dma semaphore(%arg15 : memref<!tpu.dma_semaphore, #tpu.memory_space<semaphore_mem>>) src(%dma_wait3A_78 : memref<128x128xf32, #tpu.memory_space<hbm>>) dst(%arg11 : memref<40x128xf32, #tpu.memory_space<vmem>>)
      %not3A = arith.constant true
      %not3A_79 = arith.xori %eq3A_72, %not3A : i1
      %convert_element_type3A = arith.extui %not3A_79 : i1 to i32
      %cond3A = arith.constant 0 : i32
      %cond3A_80 = arith.cmpi ne, %convert_element_type3A, %cond3A : i32
      scf.if %cond3A_80 {
        %sub3A_128 = arith.constant 2 : i32
        %sub3A_129 = arith.subi %mul3A_71, %sub3A_128 : i32
        %mul3A_130 = arith.constant 40 : i32
        %mul3A_131 = arith.muli %sub3A_129, %mul3A_130 : i32
        %dma_wait3A_132 = tpu.memref_slice %arg9[%mul3A_131] : memref<10000xi32, #tpu.memory_space<vmem>> -> memref<40xi32, #tpu.memory_space<vmem>>
        %dma_wait3A_133 = arith.constant 0 : i32
        %dma_wait3A_134 = arith.constant 0 : i32
        %dma_wait3A_135 = tpu.memref_slice %arg7[%dma_wait3A_133, %dma_wait3A_134] : memref<10000x128xf32, #tpu.memory_space<vmem_shared>> -> memref<10000x128xf32, #tpu.memory_space<vmem_shared>>
        tpu.wait_indirect_dma semaphore(%arg17 : memref<!tpu.dma_semaphore, #tpu.memory_space<semaphore_mem>>) src(%arg13 : memref<40x128xf32, #tpu.memory_space<vmem>>) dst(%dma_wait3A_135 : memref<10000x128xf32, #tpu.memory_space<vmem_shared>>)
      } else {
      }
      %parallel_loop3A = arith.constant 0 : i32
      %parallel_loop3A_81 = arith.constant 40 : i32
      %parallel_loop3A_82 = arith.constant 1 : i32
      scf.for %parallel_loop3A_128 = %parallel_loop3A to %parallel_loop3A_81 step %parallel_loop3A_82  : i32 {
        %parallel_loop3A_129 = arith.constant 40 : i32
        %parallel_loop3A_130 = arith.muli %mul3A_71, %parallel_loop3A_129 : i32
        %parallel_loop3A_131 = arith.addi %parallel_loop3A_130, %parallel_loop3A_128 : i32
        %parallel_loop3A_132 = vector.broadcast %parallel_loop3A_131 : i32 to vector<16xi32>
        %parallel_loop3A_133 = tpu.vector_load_idx %arg10[%parallel_loop3A_132] : memref<10000xf32, #tpu.memory_space<vmem>>[vector<16xi32>], vector<16xf32>,
        %parallel_loop3A_134 = arith.index_cast %parallel_loop3A_128 : i32 to index
        %parallel_loop3A_135 = arith.constant 0 : index
        %parallel_loop3A_136 = tpu.vector_load %arg11[%parallel_loop3A_134, %parallel_loop3A_135] {strides = array<i32>} : memref<40x128xf32, #tpu.memory_space<vmem>>, vector<16xf32>,
        %parallel_loop3A_137 = arith.mulf %parallel_loop3A_136, %parallel_loop3A_133 : vector<16xf32>
        %parallel_loop3A_138 = arith.index_cast %parallel_loop3A_128 : i32 to index
        %parallel_loop3A_139 = arith.constant 0 : index
        %parallel_loop3A_140 = tpu.vector_load %arg13[%parallel_loop3A_138, %parallel_loop3A_139] {strides = array<i32>} : memref<40x128xf32, #tpu.memory_space<vmem>>, vector<16xf32>,
        tpu.vector_store %arg13[%parallel_loop3A_138, %parallel_loop3A_139], %parallel_loop3A_137 {strides = array<i32>} : memref<40x128xf32, #tpu.memory_space<vmem>>, vector<16xf32>,
        %parallel_loop3A_141 = arith.index_cast %parallel_loop3A_128 : i32 to index
        %parallel_loop3A_142 = arith.constant 16 : index
        %parallel_loop3A_143 = tpu.vector_load %arg11[%parallel_loop3A_141, %parallel_loop3A_142] {strides = array<i32>} : memref<40x128xf32, #tpu.memory_space<vmem>>, vector<16xf32>,
        %parallel_loop3A_144 = arith.mulf %parallel_loop3A_143, %parallel_loop3A_133 : vector<16xf32>
        %parallel_loop3A_145 = arith.index_cast %parallel_loop3A_128 : i32 to index
        %parallel_loop3A_146 = arith.constant 16 : index
        %parallel_loop3A_147 = tpu.vector_load %arg13[%parallel_loop3A_145, %parallel_loop3A_146] {strides = array<i32>} : memref<40x128xf32, #tpu.memory_space<vmem>>, vector<16xf32>,
        tpu.vector_store %arg13[%parallel_loop3A_145, %parallel_loop3A_146], %parallel_loop3A_144 {strides = array<i32>} : memref<40x128xf32, #tpu.memory_space<vmem>>, vector<16xf32>,
        %parallel_loop3A_148 = arith.index_cast %parallel_loop3A_128 : i32 to index
        %parallel_loop3A_149 = arith.constant 32 : index
        %parallel_loop3A_150 = tpu.vector_load %arg11[%parallel_loop3A_148, %parallel_loop3A_149] {strides = array<i32>} : memref<40x128xf32, #tpu.memory_space<vmem>>, vector<16xf32>,
        %parallel_loop3A_151 = arith.mulf %parallel_loop3A_150, %parallel_loop3A_133 : vector<16xf32>
        %parallel_loop3A_152 = arith.index_cast %parallel_loop3A_128 : i32 to index
        %parallel_loop3A_153 = arith.constant 32 : index
        %parallel_loop3A_154 = tpu.vector_load %arg13[%parallel_loop3A_152, %parallel_loop3A_153] {strides = array<i32>} : memref<40x128xf32, #tpu.memory_space<vmem>>, vector<16xf32>,
        tpu.vector_store %arg13[%parallel_loop3A_152, %parallel_loop3A_153], %parallel_loop3A_151 {strides = array<i32>} : memref<40x128xf32, #tpu.memory_space<vmem>>, vector<16xf32>,
        %parallel_loop3A_155 = arith.index_cast %parallel_loop3A_128 : i32 to index
        %parallel_loop3A_156 = arith.constant 48 : index
        %parallel_loop3A_157 = tpu.vector_load %arg11[%parallel_loop3A_155, %parallel_loop3A_156] {strides = array<i32>} : memref<40x128xf32, #tpu.memory_space<vmem>>, vector<16xf32>,
        %parallel_loop3A_158 = arith.mulf %parallel_loop3A_157, %parallel_loop3A_133 : vector<16xf32>
        %parallel_loop3A_159 = arith.index_cast %parallel_loop3A_128 : i32 to index
        %parallel_loop3A_160 = arith.constant 48 : index
        %parallel_loop3A_161 = tpu.vector_load %arg13[%parallel_loop3A_159, %parallel_loop3A_160] {strides = array<i32>} : memref<40x128xf32, #tpu.memory_space<vmem>>, vector<16xf32>,
        tpu.vector_store %arg13[%parallel_loop3A_159, %parallel_loop3A_160], %parallel_loop3A_158 {strides = array<i32>} : memref<40x128xf32, #tpu.memory_space<vmem>>, vector<16xf32>,
        %parallel_loop3A_162 = arith.index_cast %parallel_loop3A_128 : i32 to index
        %parallel_loop3A_163 = arith.constant 64 : index
        %parallel_loop3A_164 = tpu.vector_load %arg11[%parallel_loop3A_162, %parallel_loop3A_163] {strides = array<i32>} : memref<40x128xf32, #tpu.memory_space<vmem>>, vector<16xf32>,
        %parallel_loop3A_165 = arith.mulf %parallel_loop3A_164, %parallel_loop3A_133 : vector<16xf32>
        %parallel_loop3A_166 = arith.index_cast %parallel_loop3A_128 : i32 to index
        %parallel_loop3A_167 = arith.constant 64 : index
        %parallel_loop3A_168 = tpu.vector_load %arg13[%parallel_loop3A_166, %parallel_loop3A_167] {strides = array<i32>} : memref<40x128xf32, #tpu.memory_space<vmem>>, vector<16xf32>,
        tpu.vector_store %arg13[%parallel_loop3A_166, %parallel_loop3A_167], %parallel_loop3A_165 {strides = array<i32>} : memref<40x128xf32, #tpu.memory_space<vmem>>, vector<16xf32>,
        %parallel_loop3A_169 = arith.index_cast %parallel_loop3A_128 : i32 to index
        %parallel_loop3A_170 = arith.constant 80 : index
        %parallel_loop3A_171 = tpu.vector_load %arg11[%parallel_loop3A_169, %parallel_loop3A_170] {strides = array<i32>} : memref<40x128xf32, #tpu.memory_space<vmem>>, vector<16xf32>,
        %parallel_loop3A_172 = arith.mulf %parallel_loop3A_171, %parallel_loop3A_133 : vector<16xf32>
        %parallel_loop3A_173 = arith.index_cast %parallel_loop3A_128 : i32 to index
        %parallel_loop3A_174 = arith.constant 80 : index
        %parallel_loop3A_175 = tpu.vector_load %arg13[%parallel_loop3A_173, %parallel_loop3A_174] {strides = array<i32>} : memref<40x128xf32, #tpu.memory_space<vmem>>, vector<16xf32>,
        tpu.vector_store %arg13[%parallel_loop3A_173, %parallel_loop3A_174], %parallel_loop3A_172 {strides = array<i32>} : memref<40x128xf32, #tpu.memory_space<vmem>>, vector<16xf32>,
        %parallel_loop3A_176 = arith.index_cast %parallel_loop3A_128 : i32 to index
        %parallel_loop3A_177 = arith.constant 96 : index
        %parallel_loop3A_178 = tpu.vector_load %arg11[%parallel_loop3A_176, %parallel_loop3A_177] {strides = array<i32>} : memref<40x128xf32, #tpu.memory_space<vmem>>, vector<16xf32>,
        %parallel_loop3A_179 = arith.mulf %parallel_loop3A_178, %parallel_loop3A_133 : vector<16xf32>
        %parallel_loop3A_180 = arith.index_cast %parallel_loop3A_128 : i32 to index
        %parallel_loop3A_181 = arith.constant 96 : index
        %parallel_loop3A_182 = tpu.vector_load %arg13[%parallel_loop3A_180, %parallel_loop3A_181] {strides = array<i32>} : memref<40x128xf32, #tpu.memory_space<vmem>>, vector<16xf32>,
        tpu.vector_store %arg13[%parallel_loop3A_180, %parallel_loop3A_181], %parallel_loop3A_179 {strides = array<i32>} : memref<40x128xf32, #tpu.memory_space<vmem>>, vector<16xf32>,
        %parallel_loop3A_183 = arith.index_cast %parallel_loop3A_128 : i32 to index
        %parallel_loop3A_184 = arith.constant 112 : index
        %parallel_loop3A_185 = tpu.vector_load %arg11[%parallel_loop3A_183, %parallel_loop3A_184] {strides = array<i32>} : memref<40x128xf32, #tpu.memory_space<vmem>>, vector<16xf32>,
        %parallel_loop3A_186 = arith.mulf %parallel_loop3A_185, %parallel_loop3A_133 : vector<16xf32>
        %parallel_loop3A_187 = arith.index_cast %parallel_loop3A_128 : i32 to index
        %parallel_loop3A_188 = arith.constant 112 : index
        %parallel_loop3A_189 = tpu.vector_load %arg13[%parallel_loop3A_187, %parallel_loop3A_188] {strides = array<i32>} : memref<40x128xf32, #tpu.memory_space<vmem>>, vector<16xf32>,
        tpu.vector_store %arg13[%parallel_loop3A_187, %parallel_loop3A_188], %parallel_loop3A_186 {strides = array<i32>} : memref<40x128xf32, #tpu.memory_space<vmem>>, vector<16xf32>,
      } {sc.loop_unroll_factor = 1 : i64, sc.parallel_access}
      %mul3A_83 = arith.constant 40 : i32
      %mul3A_84 = arith.muli %mul3A_71, %mul3A_83 : i32
      %dma_start3A_85 = tpu.memref_slice %arg9[%mul3A_84] : memref<10000xi32, #tpu.memory_space<vmem>> -> memref<40xi32, #tpu.memory_space<vmem>>
      %dma_start3A_86 = arith.constant 0 : i32
      %dma_start3A_87 = arith.constant 0 : i32
      %dma_start3A_88 = tpu.memref_slice %arg7[%dma_start3A_86, %dma_start3A_87] : memref<10000x128xf32, #tpu.memory_space<vmem_shared>> -> memref<10000x128xf32, #tpu.memory_space<vmem_shared>>
      tpu.enqueue_indirect_dma source(%arg13 : memref<40x128xf32, #tpu.memory_space<vmem>>) target(%dma_start3A_88 : memref<10000x128xf32, #tpu.memory_space<vmem_shared>>) offsets(%dma_start3A_85 : memref<40xi32, #tpu.memory_space<vmem>>) semaphore(%arg17 : memref<!tpu.dma_semaphore, #tpu.memory_space<semaphore_mem>>) {add = true}
      %add3A_89 = arith.constant 2 : i32
      %add3A_90 = arith.addi %mul3A_71, %add3A_89 : i32
      %lt3A = arith.constant 250 : i32
      %lt3A_91 = arith.cmpi slt, %add3A_90, %lt3A : i32
      %convert_element_type3A_92 = arith.extui %lt3A_91 : i1 to i32
      %cond3A_93 = arith.constant 0 : i32
      %cond3A_94 = arith.cmpi ne, %convert_element_type3A_92, %cond3A_93 : i32
      scf.if %cond3A_94 {
        %add3A_128 = arith.constant 2 : i32
        %add3A_129 = arith.addi %mul3A_71, %add3A_128 : i32
        %mul3A_130 = arith.constant 40 : i32
        %mul3A_131 = arith.muli %add3A_129, %mul3A_130 : i32
        %dma_start3A_132 = tpu.memref_slice %arg8[%mul3A_131] : memref<10000xi32, #tpu.memory_space<vmem>> -> memref<40xi32, #tpu.memory_space<vmem>>
        %dma_start3A_133 = arith.constant 0 : i32
        %dma_start3A_134 = arith.constant 0 : i32
        %dma_start3A_135 = tpu.memref_slice %arg2[%dma_start3A_133, %dma_start3A_134] : memref<128x128xf32, #tpu.memory_space<hbm>> -> memref<128x128xf32, #tpu.memory_space<hbm>>
        tpu.enqueue_indirect_dma source(%dma_start3A_135 : memref<128x128xf32, #tpu.memory_space<hbm>>) target(%arg11 : memref<40x128xf32, #tpu.memory_space<vmem>>) offsets(%dma_start3A_132 : memref<40xi32, #tpu.memory_space<vmem>>) semaphore(%arg15 : memref<!tpu.dma_semaphore, #tpu.memory_space<semaphore_mem>>)
      } else {
      }
      %mul3A_95 = arith.constant 2 : i32
      %mul3A_96 = arith.muli %mul3A_95, %add3A_69 : i32
      %add3A_97 = arith.constant 1 : i32
      %add3A_98 = arith.addi %mul3A_96, %add3A_97 : i32
      %eq3A_99 = arith.constant 0 : i32
      %eq3A_100 = arith.cmpi eq, %add3A_69, %eq3A_99 : i32
      %mul3A_101 = arith.constant 40 : i32
      %mul3A_102 = arith.muli %add3A_98, %mul3A_101 : i32
      %dma_wait3A_103 = tpu.memref_slice %arg8[%mul3A_102] : memref<10000xi32, #tpu.memory_space<vmem>> -> memref<40xi32, #tpu.memory_space<vmem>>
      %dma_wait3A_104 = arith.constant 0 : i32
      %dma_wait3A_105 = arith.constant 0 : i32
      %dma_wait3A_106 = tpu.memref_slice %arg2[%dma_wait3A_104, %dma_wait3A_105] : memref<128x128xf32, #tpu.memory_space<hbm>> -> memref<128x128xf32, #tpu.memory_space<hbm>>
      tpu.wait_indirect_dma semaphore(%arg16 : memref<!tpu.dma_semaphore, #tpu.memory_space<semaphore_mem>>) src(%dma_wait3A_106 : memref<128x128xf32, #tpu.memory_space<hbm>>) dst(%arg12 : memref<40x128xf32, #tpu.memory_space<vmem>>)
      %not3A_107 = arith.constant true
      %not3A_108 = arith.xori %eq3A_100, %not3A_107 : i1
      %convert_element_type3A_109 = arith.extui %not3A_108 : i1 to i32
      %cond3A_110 = arith.constant 0 : i32
      %cond3A_111 = arith.cmpi ne, %convert_element_type3A_109, %cond3A_110 : i32
      scf.if %cond3A_111 {
        %sub3A_128 = arith.constant 2 : i32
        %sub3A_129 = arith.subi %add3A_98, %sub3A_128 : i32
        %mul3A_130 = arith.constant 40 : i32
        %mul3A_131 = arith.muli %sub3A_129, %mul3A_130 : i32
        %dma_wait3A_132 = tpu.memref_slice %arg9[%mul3A_131] : memref<10000xi32, #tpu.memory_space<vmem>> -> memref<40xi32, #tpu.memory_space<vmem>>
        %dma_wait3A_133 = arith.constant 0 : i32
        %dma_wait3A_134 = arith.constant 0 : i32
        %dma_wait3A_135 = tpu.memref_slice %arg7[%dma_wait3A_133, %dma_wait3A_134] : memref<10000x128xf32, #tpu.memory_space<vmem_shared>> -> memref<10000x128xf32, #tpu.memory_space<vmem_shared>>
        tpu.wait_indirect_dma semaphore(%arg18 : memref<!tpu.dma_semaphore, #tpu.memory_space<semaphore_mem>>) src(%arg14 : memref<40x128xf32, #tpu.memory_space<vmem>>) dst(%dma_wait3A_135 : memref<10000x128xf32, #tpu.memory_space<vmem_shared>>)
      } else {
      }
      %parallel_loop3A_112 = arith.constant 0 : i32
      %parallel_loop3A_113 = arith.constant 40 : i32
      %parallel_loop3A_114 = arith.constant 1 : i32
      scf.for %parallel_loop3A_128 = %parallel_loop3A_112 to %parallel_loop3A_113 step %parallel_loop3A_114  : i32 {
        %parallel_loop3A_129 = arith.constant 40 : i32
        %parallel_loop3A_130 = arith.muli %add3A_98, %parallel_loop3A_129 : i32
        %parallel_loop3A_131 = arith.addi %parallel_loop3A_130, %parallel_loop3A_128 : i32
        %parallel_loop3A_132 = vector.broadcast %parallel_loop3A_131 : i32 to vector<16xi32>
        %parallel_loop3A_133 = tpu.vector_load_idx %arg10[%parallel_loop3A_132] : memref<10000xf32, #tpu.memory_space<vmem>>[vector<16xi32>], vector<16xf32>,
        %parallel_loop3A_134 = arith.index_cast %parallel_loop3A_128 : i32 to index
        %parallel_loop3A_135 = arith.constant 0 : index
        %parallel_loop3A_136 = tpu.vector_load %arg12[%parallel_loop3A_134, %parallel_loop3A_135] {strides = array<i32>} : memref<40x128xf32, #tpu.memory_space<vmem>>, vector<16xf32>,
        %parallel_loop3A_137 = arith.mulf %parallel_loop3A_136, %parallel_loop3A_133 : vector<16xf32>
        %parallel_loop3A_138 = arith.index_cast %parallel_loop3A_128 : i32 to index
        %parallel_loop3A_139 = arith.constant 0 : index
        %parallel_loop3A_140 = tpu.vector_load %arg14[%parallel_loop3A_138, %parallel_loop3A_139] {strides = array<i32>} : memref<40x128xf32, #tpu.memory_space<vmem>>, vector<16xf32>,
        tpu.vector_store %arg14[%parallel_loop3A_138, %parallel_loop3A_139], %parallel_loop3A_137 {strides = array<i32>} : memref<40x128xf32, #tpu.memory_space<vmem>>, vector<16xf32>,
        %parallel_loop3A_141 = arith.index_cast %parallel_loop3A_128 : i32 to index
        %parallel_loop3A_142 = arith.constant 16 : index
        %parallel_loop3A_143 = tpu.vector_load %arg12[%parallel_loop3A_141, %parallel_loop3A_142] {strides = array<i32>} : memref<40x128xf32, #tpu.memory_space<vmem>>, vector<16xf32>,
        %parallel_loop3A_144 = arith.mulf %parallel_loop3A_143, %parallel_loop3A_133 : vector<16xf32>
        %parallel_loop3A_145 = arith.index_cast %parallel_loop3A_128 : i32 to index
        %parallel_loop3A_146 = arith.constant 16 : index
        %parallel_loop3A_147 = tpu.vector_load %arg14[%parallel_loop3A_145, %parallel_loop3A_146] {strides = array<i32>} : memref<40x128xf32, #tpu.memory_space<vmem>>, vector<16xf32>,
        tpu.vector_store %arg14[%parallel_loop3A_145, %parallel_loop3A_146], %parallel_loop3A_144 {strides = array<i32>} : memref<40x128xf32, #tpu.memory_space<vmem>>, vector<16xf32>,
        %parallel_loop3A_148 = arith.index_cast %parallel_loop3A_128 : i32 to index
        %parallel_loop3A_149 = arith.constant 32 : index
        %parallel_loop3A_150 = tpu.vector_load %arg12[%parallel_loop3A_148, %parallel_loop3A_149] {strides = array<i32>} : memref<40x128xf32, #tpu.memory_space<vmem>>, vector<16xf32>,
        %parallel_loop3A_151 = arith.mulf %parallel_loop3A_150, %parallel_loop3A_133 : vector<16xf32>
        %parallel_loop3A_152 = arith.index_cast %parallel_loop3A_128 : i32 to index
        %parallel_loop3A_153 = arith.constant 32 : index
        %parallel_loop3A_154 = tpu.vector_load %arg14[%parallel_loop3A_152, %parallel_loop3A_153] {strides = array<i32>} : memref<40x128xf32, #tpu.memory_space<vmem>>, vector<16xf32>,
        tpu.vector_store %arg14[%parallel_loop3A_152, %parallel_loop3A_153], %parallel_loop3A_151 {strides = array<i32>} : memref<40x128xf32, #tpu.memory_space<vmem>>, vector<16xf32>,
        %parallel_loop3A_155 = arith.index_cast %parallel_loop3A_128 : i32 to index
        %parallel_loop3A_156 = arith.constant 48 : index
        %parallel_loop3A_157 = tpu.vector_load %arg12[%parallel_loop3A_155, %parallel_loop3A_156] {strides = array<i32>} : memref<40x128xf32, #tpu.memory_space<vmem>>, vector<16xf32>,
        %parallel_loop3A_158 = arith.mulf %parallel_loop3A_157, %parallel_loop3A_133 : vector<16xf32>
        %parallel_loop3A_159 = arith.index_cast %parallel_loop3A_128 : i32 to index
        %parallel_loop3A_160 = arith.constant 48 : index
        %parallel_loop3A_161 = tpu.vector_load %arg14[%parallel_loop3A_159, %parallel_loop3A_160] {strides = array<i32>} : memref<40x128xf32, #tpu.memory_space<vmem>>, vector<16xf32>,
        tpu.vector_store %arg14[%parallel_loop3A_159, %parallel_loop3A_160], %parallel_loop3A_158 {strides = array<i32>} : memref<40x128xf32, #tpu.memory_space<vmem>>, vector<16xf32>,
        %parallel_loop3A_162 = arith.index_cast %parallel_loop3A_128 : i32 to index
        %parallel_loop3A_163 = arith.constant 64 : index
        %parallel_loop3A_164 = tpu.vector_load %arg12[%parallel_loop3A_162, %parallel_loop3A_163] {strides = array<i32>} : memref<40x128xf32, #tpu.memory_space<vmem>>, vector<16xf32>,
        %parallel_loop3A_165 = arith.mulf %parallel_loop3A_164, %parallel_loop3A_133 : vector<16xf32>
        %parallel_loop3A_166 = arith.index_cast %parallel_loop3A_128 : i32 to index
        %parallel_loop3A_167 = arith.constant 64 : index
        %parallel_loop3A_168 = tpu.vector_load %arg14[%parallel_loop3A_166, %parallel_loop3A_167] {strides = array<i32>} : memref<40x128xf32, #tpu.memory_space<vmem>>, vector<16xf32>,
        tpu.vector_store %arg14[%parallel_loop3A_166, %parallel_loop3A_167], %parallel_loop3A_165 {strides = array<i32>} : memref<40x128xf32, #tpu.memory_space<vmem>>, vector<16xf32>,
        %parallel_loop3A_169 = arith.index_cast %parallel_loop3A_128 : i32 to index
        %parallel_loop3A_170 = arith.constant 80 : index
        %parallel_loop3A_171 = tpu.vector_load %arg12[%parallel_loop3A_169, %parallel_loop3A_170] {strides = array<i32>} : memref<40x128xf32, #tpu.memory_space<vmem>>, vector<16xf32>,
        %parallel_loop3A_172 = arith.mulf %parallel_loop3A_171, %parallel_loop3A_133 : vector<16xf32>
        %parallel_loop3A_173 = arith.index_cast %parallel_loop3A_128 : i32 to index
        %parallel_loop3A_174 = arith.constant 80 : index
        %parallel_loop3A_175 = tpu.vector_load %arg14[%parallel_loop3A_173, %parallel_loop3A_174] {strides = array<i32>} : memref<40x128xf32, #tpu.memory_space<vmem>>, vector<16xf32>,
        tpu.vector_store %arg14[%parallel_loop3A_173, %parallel_loop3A_174], %parallel_loop3A_172 {strides = array<i32>} : memref<40x128xf32, #tpu.memory_space<vmem>>, vector<16xf32>,
        %parallel_loop3A_176 = arith.index_cast %parallel_loop3A_128 : i32 to index
        %parallel_loop3A_177 = arith.constant 96 : index
        %parallel_loop3A_178 = tpu.vector_load %arg12[%parallel_loop3A_176, %parallel_loop3A_177] {strides = array<i32>} : memref<40x128xf32, #tpu.memory_space<vmem>>, vector<16xf32>,
        %parallel_loop3A_179 = arith.mulf %parallel_loop3A_178, %parallel_loop3A_133 : vector<16xf32>
        %parallel_loop3A_180 = arith.index_cast %parallel_loop3A_128 : i32 to index
        %parallel_loop3A_181 = arith.constant 96 : index
        %parallel_loop3A_182 = tpu.vector_load %arg14[%parallel_loop3A_180, %parallel_loop3A_181] {strides = array<i32>} : memref<40x128xf32, #tpu.memory_space<vmem>>, vector<16xf32>,
        tpu.vector_store %arg14[%parallel_loop3A_180, %parallel_loop3A_181], %parallel_loop3A_179 {strides = array<i32>} : memref<40x128xf32, #tpu.memory_space<vmem>>, vector<16xf32>,
        %parallel_loop3A_183 = arith.index_cast %parallel_loop3A_128 : i32 to index
        %parallel_loop3A_184 = arith.constant 112 : index
        %parallel_loop3A_185 = tpu.vector_load %arg12[%parallel_loop3A_183, %parallel_loop3A_184] {strides = array<i32>} : memref<40x128xf32, #tpu.memory_space<vmem>>, vector<16xf32>,
        %parallel_loop3A_186 = arith.mulf %parallel_loop3A_185, %parallel_loop3A_133 : vector<16xf32>
        %parallel_loop3A_187 = arith.index_cast %parallel_loop3A_128 : i32 to index
        %parallel_loop3A_188 = arith.constant 112 : index
        %parallel_loop3A_189 = tpu.vector_load %arg14[%parallel_loop3A_187, %parallel_loop3A_188] {strides = array<i32>} : memref<40x128xf32, #tpu.memory_space<vmem>>, vector<16xf32>,
        tpu.vector_store %arg14[%parallel_loop3A_187, %parallel_loop3A_188], %parallel_loop3A_186 {strides = array<i32>} : memref<40x128xf32, #tpu.memory_space<vmem>>, vector<16xf32>,
      } {sc.loop_unroll_factor = 1 : i64, sc.parallel_access}
      %mul3A_115 = arith.constant 40 : i32
      %mul3A_116 = arith.muli %add3A_98, %mul3A_115 : i32
      %dma_start3A_117 = tpu.memref_slice %arg9[%mul3A_116] : memref<10000xi32, #tpu.memory_space<vmem>> -> memref<40xi32, #tpu.memory_space<vmem>>
      %dma_start3A_118 = arith.constant 0 : i32
      %dma_start3A_119 = arith.constant 0 : i32
      %dma_start3A_120 = tpu.memref_slice %arg7[%dma_start3A_118, %dma_start3A_119] : memref<10000x128xf32, #tpu.memory_space<vmem_shared>> -> memref<10000x128xf32, #tpu.memory_space<vmem_shared>>
      tpu.enqueue_indirect_dma source(%arg14 : memref<40x128xf32, #tpu.memory_space<vmem>>) target(%dma_start3A_120 : memref<10000x128xf32, #tpu.memory_space<vmem_shared>>) offsets(%dma_start3A_117 : memref<40xi32, #tpu.memory_space<vmem>>) semaphore(%arg18 : memref<!tpu.dma_semaphore, #tpu.memory_space<semaphore_mem>>) {add = true}
      %add3A_121 = arith.constant 2 : i32
      %add3A_122 = arith.addi %add3A_98, %add3A_121 : i32
      %lt3A_123 = arith.constant 250 : i32
      %lt3A_124 = arith.cmpi slt, %add3A_122, %lt3A_123 : i32
      %convert_element_type3A_125 = arith.extui %lt3A_124 : i1 to i32
      %cond3A_126 = arith.constant 0 : i32
      %cond3A_127 = arith.cmpi ne, %convert_element_type3A_125, %cond3A_126 : i32
      scf.if %cond3A_127 {
        %add3A_128 = arith.constant 2 : i32
        %add3A_129 = arith.addi %add3A_98, %add3A_128 : i32
        %mul3A_130 = arith.constant 40 : i32
        %mul3A_131 = arith.muli %add3A_129, %mul3A_130 : i32
        %dma_start3A_132 = tpu.memref_slice %arg8[%mul3A_131] : memref<10000xi32, #tpu.memory_space<vmem>> -> memref<40xi32, #tpu.memory_space<vmem>>
        %dma_start3A_133 = arith.constant 0 : i32
        %dma_start3A_134 = arith.constant 0 : i32
        %dma_start3A_135 = tpu.memref_slice %arg2[%dma_start3A_133, %dma_start3A_134] : memref<128x128xf32, #tpu.memory_space<hbm>> -> memref<128x128xf32, #tpu.memory_space<hbm>>
        tpu.enqueue_indirect_dma source(%dma_start3A_135 : memref<128x128xf32, #tpu.memory_space<hbm>>) target(%arg12 : memref<40x128xf32, #tpu.memory_space<vmem>>) offsets(%dma_start3A_132 : memref<40xi32, #tpu.memory_space<vmem>>) semaphore(%arg16 : memref<!tpu.dma_semaphore, #tpu.memory_space<semaphore_mem>>)
      } else {
      }
    }
    %scan3A_36 = arith.constant 125 : i32
    %dma_wait3A = arith.constant 9920 : i32
    %dma_wait3A_37 = tpu.memref_slice %arg9[%dma_wait3A] : memref<10000xi32, #tpu.memory_space<vmem>> -> memref<40xi32, #tpu.memory_space<vmem>>
    %dma_wait3A_38 = arith.constant 0 : i32
    %dma_wait3A_39 = arith.constant 0 : i32
    %dma_wait3A_40 = tpu.memref_slice %arg7[%dma_wait3A_38, %dma_wait3A_39] : memref<10000x128xf32, #tpu.memory_space<vmem_shared>> -> memref<10000x128xf32, #tpu.memory_space<vmem_shared>>
    tpu.wait_indirect_dma semaphore(%arg17 : memref<!tpu.dma_semaphore, #tpu.memory_space<semaphore_mem>>) src(%arg13 : memref<40x128xf32, #tpu.memory_space<vmem>>) dst(%dma_wait3A_40 : memref<10000x128xf32, #tpu.memory_space<vmem_shared>>)
    %dma_wait3A_41 = arith.constant 9960 : i32
    %dma_wait3A_42 = tpu.memref_slice %arg9[%dma_wait3A_41] : memref<10000xi32, #tpu.memory_space<vmem>> -> memref<40xi32, #tpu.memory_space<vmem>>
    %dma_wait3A_43 = arith.constant 0 : i32
    %dma_wait3A_44 = arith.constant 0 : i32
    %dma_wait3A_45 = tpu.memref_slice %arg7[%dma_wait3A_43, %dma_wait3A_44] : memref<10000x128xf32, #tpu.memory_space<vmem_shared>> -> memref<10000x128xf32, #tpu.memory_space<vmem_shared>>
    tpu.wait_indirect_dma semaphore(%arg18 : memref<!tpu.dma_semaphore, #tpu.memory_space<semaphore_mem>>) src(%arg14 : memref<40x128xf32, #tpu.memory_space<vmem>>) dst(%dma_wait3A_45 : memref<10000x128xf32, #tpu.memory_space<vmem_shared>>)
    %barrier3A_46 = arith.constant 0 : index
    tpu.barrier barrier_id(%barrier3A_46)
    %sub3A_47 = arith.constant 125 : i32
    %sub3A_48 = arith.subi %sub3A_47, %arg1 : i32
    %sub3A_49 = arith.constant 16 : i32
    %sub3A_50 = arith.constant 1 : i32
    %sub3A_51 = arith.subi %sub3A_49, %sub3A_50 : i32
    %add3A_52 = arith.addi %sub3A_48, %sub3A_51 : i32
    %div3A_53 = arith.constant 16 : i32
    %div3A_54 = arith.divsi %add3A_52, %div3A_53 : i32
    %while3A_55 = arith.constant 16 : i32
    %while3A_56 = arith.constant 0 : i32
    %while3A_57 = arith.subi %div3A_54, %while3A_56 : i32
    %while3A_58 = arith.addi %while3A_56, %while3A_57 : i32
    %while3A_59 = arith.constant 1 : i32
    %while3A_60 = arith.divsi %while3A_57, %while3A_59 : i32
    %while3A_61 = arith.muli %while3A_60, %while3A_59 : i32
    %while3A_62 = arith.addi %while3A_56, %while3A_61 : i32
    %while3A_63 = arith.constant 1 : i32
    scf.for %while3A_65 = %while3A_56 to %while3A_62 step %while3A_63  : i32 {
      %mul3A_66 = arith.muli %while3A_65, %while3A_55 : i32
      %add3A_67 = arith.addi %arg1, %mul3A_66 : i32
      %mul3A_68 = arith.constant 80 : i32
      %mul3A_69 = arith.muli %add3A_67, %mul3A_68 : i32
      %multiple_of3A_70 = tpu.assume_multiple %mul3A_69, 80 : i32
      "tpu.region"() ({
        %run_scoped3A = tpu.sem_alloc : memref<!tpu.dma_semaphore, #tpu.memory_space<semaphore_mem>>
        %dma_start3A_71 = arith.constant 0 : i32
        %dma_start3A_72 = tpu.memref_slice %arg6[%arg0, %multiple_of3A_70, %dma_start3A_71] : memref<2x10000x128xf32, #tpu.memory_space<hbm>> -> memref<1x80x128xf32, #tpu.memory_space<hbm>>
        %dma_start3A_73 = tpu.memref_squeeze %dma_start3A_72 : memref<1x80x128xf32, #tpu.memory_space<hbm>> -> memref<80x128xf32, #tpu.memory_space<hbm>>
        %dma_start3A_74 = arith.constant 0 : i32
        %dma_start3A_75 = tpu.memref_slice %arg7[%multiple_of3A_70, %dma_start3A_74] : memref<10000x128xf32, #tpu.memory_space<vmem_shared>> -> memref<80x128xf32, #tpu.memory_space<vmem_shared>>
        tpu.enqueue_dma source(%dma_start3A_75 : memref<80x128xf32, #tpu.memory_space<vmem_shared>>) target(%dma_start3A_73 : memref<80x128xf32, #tpu.memory_space<hbm>>) target_semaphore(%run_scoped3A : memref<!tpu.dma_semaphore, #tpu.memory_space<semaphore_mem>>)
        %dma_wait3A_76 = arith.constant 0 : i32
        %dma_wait3A_77 = tpu.memref_slice %arg6[%arg0, %multiple_of3A_70, %dma_wait3A_76] : memref<2x10000x128xf32, #tpu.memory_space<hbm>> -> memref<1x80x128xf32, #tpu.memory_space<hbm>>
        %dma_wait3A_78 = tpu.memref_squeeze %dma_wait3A_77 : memref<1x80x128xf32, #tpu.memory_space<hbm>> -> memref<80x128xf32, #tpu.memory_space<hbm>>
        %dma_wait3A_79 = arith.constant 0 : i32
        %dma_wait3A_80 = tpu.memref_slice %arg7[%multiple_of3A_70, %dma_wait3A_79] : memref<10000x128xf32, #tpu.memory_space<vmem_shared>> -> memref<80x128xf32, #tpu.memory_space<vmem_shared>>
        tpu.wait_dma2 semaphore(%run_scoped3A : memref<!tpu.dma_semaphore, #tpu.memory_space<semaphore_mem>>) src(%dma_wait3A_80 : memref<80x128xf32, #tpu.memory_space<vmem_shared>>) dst(%dma_wait3A_78 : memref<80x128xf32, #tpu.memory_space<hbm>>)
        tpu.yield
      }) : () -> ()
    }
    %while3A_64 = arith.constant 1 : i32
    scf.for %while3A_65 = %while3A_62 to %while3A_58 step %while3A_64  : i32 {
      %mul3A_66 = arith.muli %while3A_65, %while3A_55 : i32
      %add3A_67 = arith.addi %arg1, %mul3A_66 : i32
      %mul3A_68 = arith.constant 80 : i32
      %mul3A_69 = arith.muli %add3A_67, %mul3A_68 : i32
      %multiple_of3A_70 = tpu.assume_multiple %mul3A_69, 80 : i32
      "tpu.region"() ({
        %run_scoped3A = tpu.sem_alloc : memref<!tpu.dma_semaphore, #tpu.memory_space<semaphore_mem>>
        %dma_start3A_71 = arith.constant 0 : i32
        %dma_start3A_72 = tpu.memref_slice %arg6[%arg0, %multiple_of3A_70, %dma_start3A_71] : memref<2x10000x128xf32, #tpu.memory_space<hbm>> -> memref<1x80x128xf32, #tpu.memory_space<hbm>>
        %dma_start3A_73 = tpu.memref_squeeze %dma_start3A_72 : memref<1x80x128xf32, #tpu.memory_space<hbm>> -> memref<80x128xf32, #tpu.memory_space<hbm>>
        %dma_start3A_74 = arith.constant 0 : i32
        %dma_start3A_75 = tpu.memref_slice %arg7[%multiple_of3A_70, %dma_start3A_74] : memref<10000x128xf32, #tpu.memory_space<vmem_shared>> -> memref<80x128xf32, #tpu.memory_space<vmem_shared>>
        tpu.enqueue_dma source(%dma_start3A_75 : memref<80x128xf32, #tpu.memory_space<vmem_shared>>) target(%dma_start3A_73 : memref<80x128xf32, #tpu.memory_space<hbm>>) target_semaphore(%run_scoped3A : memref<!tpu.dma_semaphore, #tpu.memory_space<semaphore_mem>>)
        %dma_wait3A_76 = arith.constant 0 : i32
        %dma_wait3A_77 = tpu.memref_slice %arg6[%arg0, %multiple_of3A_70, %dma_wait3A_76] : memref<2x10000x128xf32, #tpu.memory_space<hbm>> -> memref<1x80x128xf32, #tpu.memory_space<hbm>>
        %dma_wait3A_78 = tpu.memref_squeeze %dma_wait3A_77 : memref<1x80x128xf32, #tpu.memory_space<hbm>> -> memref<80x128xf32, #tpu.memory_space<hbm>>
        %dma_wait3A_79 = arith.constant 0 : i32
        %dma_wait3A_80 = tpu.memref_slice %arg7[%multiple_of3A_70, %dma_wait3A_79] : memref<10000x128xf32, #tpu.memory_space<vmem_shared>> -> memref<80x128xf32, #tpu.memory_space<vmem_shared>>
        tpu.wait_dma2 semaphore(%run_scoped3A : memref<!tpu.dma_semaphore, #tpu.memory_space<semaphore_mem>>) src(%dma_wait3A_80 : memref<80x128xf32, #tpu.memory_space<vmem_shared>>) dst(%dma_wait3A_78 : memref<80x128xf32, #tpu.memory_space<hbm>>)
        tpu.yield
      }) : () -> ()
    }
    return
  }
}

module attributes {stable_mosaic.version = 14 : i64} {
  func.func @body(%arg0: i32, %arg1: memref<2x1000x128xf32, #tpu.memory_space<vmem>>, %arg2: memref<1000x128xf32, #tpu.memory_space<vmem>>) attributes {dimension_semantics = [#tpu.dimension_semantics<arbitrary>], iteration_bounds = array<i64: 10>, scalar_prefetch = 0 : i64, scratch_operands = 0 : i64, tpu.core_type = #tpu.core_type<tc>, window_params = [{transform_indices = @transform_0, window_bounds = array<i64: 2, 1000, 128>}, {transform_indices = @transform_1, window_bounds = array<i64: 1000, 128>}]} {
    %get3A = arith.constant 0 : index
    %get3A_0 = arith.constant 0 : index
    %get3A_1 = arith.constant 0 : index
    %get3A_2 = vector.load %arg1[%get3A, %get3A_0, %get3A_1] : memref<2x1000x128xf32, #tpu.memory_space<vmem>>, vector<1x1000x128xf32>
    %get3A_3 = vector.shape_cast %get3A_2 : vector<1x1000x128xf32> to vector<1000x128xf32>
    %get3A_4 = arith.constant 1 : index
    %get3A_5 = arith.constant 0 : index
    %get3A_6 = arith.constant 0 : index
    %get3A_7 = vector.load %arg1[%get3A_4, %get3A_5, %get3A_6] : memref<2x1000x128xf32, #tpu.memory_space<vmem>>, vector<1x1000x128xf32>
    %get3A_8 = vector.shape_cast %get3A_7 : vector<1x1000x128xf32> to vector<1000x128xf32>
    %add3A = arith.addf %get3A_3, %get3A_8 : vector<1000x128xf32>
    %max3A = arith.constant 0.000000e+00 : f32
    %max3A_9 = vector.broadcast %max3A : f32 to vector<1000x128xf32>
    %max3A_10 = arith.maximumf %add3A, %max3A_9 : vector<1000x128xf32>
    %swap3A = arith.constant 0 : index
    %swap3A_11 = arith.constant 0 : index
    %swap3A_12 = vector.load %arg2[%swap3A, %swap3A_11] : memref<1000x128xf32, #tpu.memory_space<vmem>>, vector<1000x128xf32>
    tpu.vector_store %arg2[%swap3A, %swap3A_11], %max3A_10 {strides = array<i32>} : memref<1000x128xf32, #tpu.memory_space<vmem>>, vector<1000x128xf32>,
    return
  }
  func.func @transform_0(%arg0: i32) -> (i32, i32, i32) {
    %c0_i32 = arith.constant 0 : i32
    %c0_i32_0 = arith.constant 0 : i32
    %c0_i32_1 = arith.constant 0 : i32
    return %c0_i32, %arg0, %c0_i32_0 : i32, i32, i32
  }
  func.func @transform_1(%arg0: i32) -> (i32, i32) {
    %c0_i32 = arith.constant 0 : i32
    %c0_i32_0 = arith.constant 0 : i32
    return %arg0, %c0_i32 : i32, i32
  }
}

module attributes {stable_mosaic.version = 14 : i64} {
  func.func @body(%arg0: i32, %arg1: memref<2x1000x128xf32, #tpu.memory_space<vmem>>, %arg2: memref<1000x128xf32, #tpu.memory_space<vmem>>) attributes {dimension_semantics = [#tpu.dimension_semantics<arbitrary>], iteration_bounds = array<i64: 10>, scalar_prefetch = 0 : i64, scratch_operands = 0 : i64, tpu.core_type = #tpu.core_type<tc>, window_params = [{transform_indices = @transform_0, window_bounds = array<i64: 2, 1000, 128>}, {transform_indices = @transform_1, window_bounds = array<i64: 1000, 128>}]} {
    %get3A = arith.constant 0 : index
    %get3A_0 = arith.constant 0 : index
    %get3A_1 = arith.constant 0 : index
    %get3A_2 = vector.load %arg1[%get3A, %get3A_0, %get3A_1] : memref<2x1000x128xf32, #tpu.memory_space<vmem>>, vector<1x1000x128xf32>
    %get3A_3 = vector.shape_cast %get3A_2 : vector<1x1000x128xf32> to vector<1000x128xf32>
    %get3A_4 = arith.constant 1 : index
    %get3A_5 = arith.constant 0 : index
    %get3A_6 = arith.constant 0 : index
    %get3A_7 = vector.load %arg1[%get3A_4, %get3A_5, %get3A_6] : memref<2x1000x128xf32, #tpu.memory_space<vmem>>, vector<1x1000x128xf32>
    %get3A_8 = vector.shape_cast %get3A_7 : vector<1x1000x128xf32> to vector<1000x128xf32>
    %add3A = arith.addf %get3A_3, %get3A_8 : vector<1000x128xf32>
    %swap3A = arith.constant 0 : index
    %swap3A_9 = arith.constant 0 : index
    %swap3A_10 = vector.load %arg2[%swap3A, %swap3A_9] : memref<1000x128xf32, #tpu.memory_space<vmem>>, vector<1000x128xf32>
    tpu.vector_store %arg2[%swap3A, %swap3A_9], %add3A {strides = array<i32>} : memref<1000x128xf32, #tpu.memory_space<vmem>>, vector<1000x128xf32>,
    return
  }
  func.func @transform_0(%arg0: i32) -> (i32, i32, i32) {
    %c0_i32 = arith.constant 0 : i32
    %c0_i32_0 = arith.constant 0 : i32
    %c0_i32_1 = arith.constant 0 : i32
    return %c0_i32, %arg0, %c0_i32_0 : i32, i32, i32
  }
  func.func @transform_1(%arg0: i32) -> (i32, i32) {
    %c0_i32 = arith.constant 0 : i32
    %c0_i32_0 = arith.constant 0 : i32
    return %arg0, %c0_i32 : i32, i32
  }
}

</mosaic_0001>

<sc_bundles>
// kernel: kernel.6.cloned.1.call-start
scs
__scs_entry_jumppad:
0x0: {  	(pc) =	sbr.rel $0x88, $3  }
0x1: {  	(tag) =	ssettag $0x0;
	lr =	simm.s32 $0x1  }
0x2: {  	[smem:$0x3F9B] =	sst lr;
	_ =	strace $0xD0000000  }
0x3: {  	_ = 	snop  }
0x4: {  	_ = 	snop  }
0x5: {  	_ = 	snop  }
0x6: {  	_ = 	snop  }
0x7: {  	_ = 	snop  }
__scs_overlays_trampoline_lowered:
0x8: {  	[smem:$0x3FAA] =	sst s0  }
0x9: {  	[smem:$0x3FAB] =	sst s1  }
0xa: {  	[smem:$0x3FAC] =	sst s2  }
0xb: {  	[smem:$0x3FAD] =	sst s3  }
0xc: {  	[smem:$0x3FAE] =	sst s4  }
0xd: {  	[smem:$0x3FAF] =	sst s5  }
0xe: {  	[smem:$0x3FB0] =	sst s6  }
0xf: {  	[smem:$0x3FB1] =	sst s7  }
0x10: {  	[smem:$0x3FB2] =	sst s8  }
0x11: {  	[smem:$0x3FB3] =	sst s9;
	s0 =	simm.s32 @!p0 $0x0  }
0x12: {  	s1 =	sld [smem:$0x3F99];
	s0 =	simm.s32 @p0 $0x1  }
0x13: {  	[smem:$0x3FB4] =	sst s0;
	s0 =	simm.s32 @!p1 $0x0  }
0x14: {  	s2 =	sld [smem:$0x3F98];
	s0 =	simm.s32 @p1 $0x1  }
0x15: {  	[smem:$0x3FB5] =	sst s0;
	s0 =	simm.s32 @!p2 $0x0  }
0x16: {  	s3 =	sld [smem:$0x3FDB];
	s0 =	simm.s32 @p2 $0x1  }
0x17: {  	s4 =	simm.s32 $0x1BF5;
	[smem:$0x3FB7] =	sst s0  }
0x18: {  	s0 =	sld [smem:$0x3F9A];
	_ =	swait.ge [sflag:s4], $0x0  }
0x19: {  	s7 =	sld [smem:$0x3F9B]  }
0x1a: {  	s8 =	sadd.s32 $0xFFFFE003, lr  }
0x1b: {  	s9 =	sadd.s32 $0xFFFFFEF7, lr;
	s5 =	simm.s32 $0xFFFFFFFF;
	p2 =	slt.u32 s8, $0xFFFFF086  }
0x1c: {  	p1 =	slt.u32 s9, $0xF7A;
	s5 =	simm.s32 @!p2 $0x0  }
0x1d: {  	s5 =	simm.s32 @p1 $0x1;
	p0 =	seq.s32 s7, s2  }
0x1e: {  	s7 =	smul.u32 @!p0 $0xF7A, s2;
	p2 =	seq.s32 @!p0 s5, $0x0  }
0x1f: {  	s9 =	smul.u32 $0xF7A, s1;
	s8 =	simm.s32 @!p0 $0x1BF5;
	p2 =	por !p2, p0  }
0x20: {  	[sflag:s8] =	ssyncset.s32 @!p0 $0xFFFFF086;
	s6 =	sadd.s32 @!p0 s3, s7;
	s7 =	simm.s32 @!p0 $0x108  }
0x21: {  	s3 =	sadd.s32 s3, s9;
	s6 =	sadd.s32 @!p0 $0x88, s6;
	s7 =	simm.s32 @p2 $0x1082  }
0x22: {  	[simem:s7], [sflag:s8] =	dma.local @!p0 [hbm:s6], $0xF7A  }
0x23: {  	s9 =	sor.u32 $0xD0000000, s2;
	s6 =	simm.s32 $0x108;
	_ =	swait.ge @!p0 [sflag:s8], $0x0  }
0x24: {  	s3 =	sadd.s32 $0x88, s3;
	s6 =	simm.s32 @!p1 $0x1082;
	[sflag:s4] =	ssyncset.s32 $0xFFFFF086  }
0x25: {  	[simem:s6], [sflag:s4] =	dma.local [hbm:s3], $0xF7A  }
0x26: {  	[smem:$0x3F9B] =	sst s1;
	(tag) =	ssettag s2;
	_ =	strace s9  }
0x27: {  	s1 =	sld [smem:$0x3FAB]  }
0x28: {  	s2 =	sld [smem:$0x3FAC]  }
0x29: {  	s4 =	sld [smem:$0x3FAE]  }
0x2a: {  	p0 =	seq.s32 s5, $0x0;
	s5 =	sld [smem:$0x3FAF]  }
0x2b: {  	s6 =	sld [smem:$0x3FB0]  }
0x2c: {  	s7 =	sld [smem:$0x3FB1]  }
0x2d: {  	s3 =	simm.s32 $0x108;
	s8 =	sld [smem:$0x3FB2]  }
0x2e: {  	s3 =	simm.s32 @!p0 $0x1082;
	s9 =	sld [smem:$0x3FB3]  }
0x2f: {  	lr =	sadd.s32 s0, s3;
	s0 =	sld [smem:$0x3FAA]  }
0x30: {  	s3 =	sld [smem:$0x3FAD]  }
0x31: {  	[smem:$0x3FB6] =	sst s10  }
0x32: {  	s10 =	sld [smem:$0x3FB4];
	_ =	sdelay $0x3  }
0x33: {  	p0 =	seq.s32 s10, $0x1;
	s10 =	sld [smem:$0x3FB6];
	_ =	sdelay $0x3  }
0x34: {  	[smem:$0x3FB6] =	sst s10  }
0x35: {  	s10 =	sld [smem:$0x3FB5];
	_ =	sdelay $0x3  }
0x36: {  	p1 =	seq.s32 s10, $0x1;
	s10 =	sld [smem:$0x3FB6];
	_ =	sdelay $0x3  }
0x37: {  	[smem:$0x3FB6] =	sst s10  }
0x38: {  	s10 =	sld [smem:$0x3FB7]  }
0x39: {  	_ = 	snop;
	(pc) =	sbr.ind lr, $3  }
0x3a: {  	_ = 	snop  }
0x3b: {  	_ = 	snop  }
0x3c: {  	p2 =	seq.s32 s10, $0x1;
	s10 =	sld [smem:$0x3FB6]  }
0x3d: {  	_ =	shalt  }
0x3e: {  	_ =	shalt  }
0x3f: {  	_ =	shalt  }
0x40: {  	_ =	shalt  }
0x41: {  	_ =	shalt  }
0x42: {  	_ =	shalt  }
0x43: {  	_ =	shalt  }
0x44: {  	_ =	shalt  }
0x45: {  	_ =	shalt  }
0x46: {  	_ =	shalt  }
0x47: {  	_ =	shalt  }
0x48: {  	_ =	shalt  }
0x49: {  	_ =	shalt  }
0x4a: {  	_ =	shalt  }
0x4b: {  	_ =	shalt  }
0x4c: {  	_ =	shalt  }
0x4d: {  	_ =	shalt  }
0x4e: {  	_ =	shalt  }
0x4f: {  	_ =	shalt  }
0x50: {  	_ =	shalt  }
0x51: {  	_ =	shalt  }
0x52: {  	_ =	shalt  }
0x53: {  	_ =	shalt  }
0x54: {  	_ =	shalt  }
0x55: {  	_ =	shalt  }
0x56: {  	_ =	shalt  }
0x57: {  	_ =	shalt  }
0x58: {  	_ =	shalt  }
0x59: {  	_ =	shalt  }
0x5a: {  	_ =	shalt  }
0x5b: {  	_ =	shalt  }
0x5c: {  	_ =	shalt  }
0x5d: {  	_ =	shalt  }
0x5e: {  	_ =	shalt  }
0x5f: {  	_ =	shalt  }
0x60: {  	_ =	shalt  }
0x61: {  	_ =	shalt  }
0x62: {  	_ =	shalt  }
0x63: {  	_ =	shalt  }
0x64: {  	_ =	shalt  }
0x65: {  	_ =	shalt  }
0x66: {  	_ =	shalt  }
0x67: {  	_ =	shalt  }
0x68: {  	_ =	shalt  }
0x69: {  	_ =	shalt  }
0x6a: {  	_ =	shalt  }
0x6b: {  	_ =	shalt  }
0x6c: {  	_ =	shalt  }
0x6d: {  	_ =	shalt  }
0x6e: {  	_ =	shalt  }
0x6f: {  	_ =	shalt  }
0x70: {  	_ =	shalt  }
0x71: {  	_ =	shalt  }
0x72: {  	_ =	shalt  }
0x73: {  	_ =	shalt  }
0x74: {  	_ =	shalt  }
0x75: {  	_ =	shalt  }
0x76: {  	_ =	shalt  }
0x77: {  	_ =	shalt  }
0x78: {  	_ =	shalt  }
0x79: {  	_ =	shalt  }
0x7a: {  	_ =	shalt  }
0x7b: {  	_ =	shalt  }
0x7c: {  	_ =	shalt  }
0x7d: {  	_ =	shalt  }
0x7e: {  	_ =	shalt  }
0x7f: {  	_ =	shalt  }
0x80: {  	_ =	shalt  }
0x81: {  	_ =	shalt  }
0x82: {  	_ =	shalt  }
0x83: {  	_ =	shalt  }
0x84: {  	_ =	shalt  }
0x85: {  	_ =	shalt  }
0x86: {  	_ =	shalt  }
0x87: {  	_ =	shalt  }
.Lfunc_end0:
.L_simem_size_0:
called_computation_lowered:
.L_overlay_start_0:
0x88: {  	s2 =	sld [smem:$0x3FD9]  }
0x89: {  	s3 =	sld [smem:$0x3FFE];
	_ =	sdelay $0x1  }
0x8a: {  	s1 =	srdreg.scid  }
0x8b: {  	s0 =	sand.u32 $0x1, s1  }
0x8c: {  	s17 =	sshll.u32 s0, $0xA;
	s2 =	sadd.s32 s3, s2  }
0x8d: {  	s2 =	sadd.s32 s2, s17  }
0x8e: {  	[smem:$0x3FC2] =	sst s2  }
0x8f: {  	_ = 	snop  }
0x90: {  	s2 =	sld [smem:$0x3FC9]  }
0x91: {  	s18 =	sld [smem:$0x3FC8]  }
0x92: {  	s4 =	sld [smem:$0x3FC7]  }
0x93: {  	s5 =	sld [smem:$0x3FC4];
	(tm) =	ssettm $0x1  }
0x94: {  	s6 =	sld [smem:$0x3FFB];
	_ =	sdelay $0x3  }
0x95: {  	_ =	strace s6  }
0x96: {  	s6 =	sld [smem:$0x3FFC];
	_ =	sdelay $0x3  }
0x97: {  	_ =	strace s6  }
0x98: {  	s6 =	sld [smem:$0x3FFD];
	_ =	sdelay $0x3  }
0x99: {  	_ =	strace s6  }
0x9a: {  	_ =	strace $0x8FFFFFFF  }
0x9b: {  	s19 =	sld [smem:$0x3FDB];
	_ =	sdelay $0x1  }
0x9c: {  	s7 =	simm.s32 $_scs_section_size  }
0x9d: {  	s8 =	simm.s32 $_size__tile_overlayer_lowered;
	s9 =	simm.s32 $_tile_overlayer_lowered  }
0x9e: {  	s22 =	simm.s32 $0x1BFF;
	s21 =	sshll.u32 s9, $0x1;
	s6 =	sadd.s32 s7, s19  }
0x9f: {  	s10 =	simm.s32 $0x0;
	s20 =	sshll.u32 s8, $0x1;
	s8 =	sadd.s32 s21, s6  }
0xa0: {  	[timem:s10], [sflag:s22] =	dma.local [hbm:s8], s20  }
0xa1: {  	_ =	swait.ge [sflag:s22], s20  }
0xa2: {  	s7 =	ssub.s32 $0x0, s20;
	[sflag:s22] =	ssyncset.done $0x0  }
0xa3: {  	[sflag:s22] =	ssyncadd.s32 s7;
	_ =	sdelay $0x1  }
0xa4: {  	s23 =	simm.s32 $0x1B8B  }
0xa5: {  	_ =	swait.ge [sflag:s23], $0x1  }
0xa6: {  	[sflag:s23] =	ssyncset.done $0x0  }
0xa7: {  	s25 =	simm.s32 $0x1B8E;
	s24 =	sld [smem:$0x3FFE];
	[sflag:s23] =	ssyncadd.s32 $0xFFFFFFFF  }
0xa8: {  	s26 =	simm.s32 $execute0_lowered;
	[smem:$0x3FD2] =	sst s25  }
0xa9: {  	s8 =	sshll.u32 s26, $0x1;
	_ =	strace $0x80000046;
	[dreg:$0x1] =	wrdreg $0xFFFFFFFF  }
0xaa: {  	s28 =	simm.s32 $_size_execute0_lowered;
	s6 =	sadd.s32 s6, s8;
	[dreg:$0x0] =	wrdreg $0x0  }
0xab: {  	s8 =	sshll.u32 s28, $0x1;
	[dreg:$0x2] =	wrdreg s6  }
0xac: {  	[dreg:$0x3] =	wrdreg s8  }
0xad: {  	[dreg:$0x4] =	wrdreg $0xC0  }
0xae: {  	_ =	task [dreg:s10], $0x5FFFF  }
0xaf: {  	[dreg:$0x1] =	wrdreg $0xFFFFFFFF  }
0xb0: {  	[dreg:$0x0] =	wrdreg $0x60  }
0xb1: {  	[dreg:$0x2] =	wrdreg s5  }
0xb2: {  	[dreg:$0x3] =	wrdreg s18  }
0xb3: {  	[dreg:$0x4] =	wrdreg s2  }
0xb4: {  	[dreg:$0x5] =	wrdreg s4  }
0xb5: {  	[dreg:$0x6] =	wrdreg s24  }
0xb6: {  	[dreg:$0x7] =	wrdreg $0x0  }
0xb7: {  	[dreg:$0x8] =	wrdreg $0x9  }
0xb8: {  	_ =	task.clear_ibuf [dreg:s10], $0x9FFFF;
	_ =	strace $0x90000046  }
0xb9: {  	s29 =	simm.s32 $0x9;
	_ =	strace $0x80000048  }
0xba: {  	_ =	swait.ge [sflag:s29], $0x1  }
0xbb: {  	[sflag:s29] =	ssyncadd.s32 $0xFFFFFFFF  }
0xbc: {  	_ =	strace $0x90000048  }
0xbd: {  	_ =	sfence  }
0xbe: {  	s30 =	sld [smem:$0x0];
	_ =	sdelay $0x2  }
0xbf: {  	s31 =	sshll.u32 s1, $0xD;
	s1 =	sshrl.u32 s1, $0x2  }
0xc0: {  	s3 =	sand.u32 $0x4000, s31;
	s1 =	sadd.s32 s1, s30  }
0xc1: {  	s0 =	sor.u32 s3, s0;
	s1 =	sshll.u32 s1, $0x11  }
0xc2: {  	s0 =	sor.u32 s1, s0  }
0xc3: {  	s0 =	sadd.s32 $0x8F2B, s0  }
0xc4: {  	[sflag:s0] =	ssyncadd.remote.s32 $0x1  }
0xc5: {  	_ =	sfence.sel $0xFFFF  }
0xc6: {  	[dreg:$0x0] =	wrdreg $0xFFFFFFFF;
	(pc) =	sbr.abs _section_cstart, $3  }
0xc7: {  	[dreg:$0x1] =	wrdreg $0xFFFFFFFF  }
0xc8: {  	_ =	task.clear_ibuf [dreg:s10], $0x2FFFF;
	_ =	strace $0x9FFFFFFF  }
0xc9: {  	(tm) =	ssettm $0x7FFFFFFF  }
tec
execute0_lowered:
.L_overlay_start_1:
0x0: {  	(tag) =	ssettag $0x1  }
0x1: {  	s0 =	rddreg [dreg:$0x0]  }
0x2: {  	s1 =	rddreg [dreg:$0x1]  }
0x3: {  	s3 =	rddreg [dreg:$0x2]  }
0x4: {  	s5 =	rddreg [dreg:$0x3]  }
0x5: {  	s6 =	rddreg [dreg:$0x4]  }
0x6: {  	s2 =	rddreg [dreg:$0x5];
	s4 =	srdreg.scid  }
0x7: {  	s13 =	stileid.u32;
	s15 =	simm.s32 $0x18780;
	s16 =	simm.s32 $0x1D700  }
0x8: {  	s19 =	simm.s32 $0x1C300;
	s20 =	simm.s32 $0x1;
	s21 =	simm.s32 $0x28  }
0x9: {  	s22 =	simm.s32 $0x2;
	s23 =	simm.s32 $0x1EB00;
	s24 =	simm.s32 $0x3  }
0xa: {  	s25 =	simm.s32 $0x4;
	s26 =	simm.s32 $0x0;
	s9 =	smul.u32 $0x2800, s13  }
0xb: {  	s7 =	sand.u32 $0x1, s4;
	s4 =	simm.s32 $0x0;
	s12 =	smul.u32 $0xA000, s13  }
0xc: {  	s30 =	ssub.s32 $0x8C, s13;
	s8 =	smul.u32 $0x138800, s7;
	[smem:$0x7FF] =	sst s4  }
0xd: {  	s10 =	sshll.u32 s7, $0x4;
	s7 =	ssub.s32 $0x2, s7;
	_ =	strace $0x80000047  }
0xe: {  	s28 =	sor.u32 s13, s10;
	s29 =	sshrl.u32 s7, $0x1;
	s31 =	sshrl.u32 s12, $0x2  }
0xf: {  	s12 =	simm.s32 $0x13880;
	s8 =	sadd.s32 s9, s8;
	s9 =	smul.u32 $0x4E2, s28  }
0x10: {  	s13 =	simm.s32 $0x5;
	s10 =	ssub.s32 s7, s29;
	s8 =	sshrl.u32 s8, $0x3  }
0x11: {  	s11 =	sadd.s32 s8, s6;
	s1 =	sadd.s32 s1, s9;
	s6 =	sadd.s32 s3, s9  }
0x12: {  	s7 =	sadd.s32 s5, s9;
	s8 =	sshrl.u32 s30, $0x4;
	s9 =	smax.u32 s10, $0x1  }
0x13: {  	v0 =	vimm.f32 $0.0e+00;
	s10 =	sadd.s32 s31, s2;
	[dreg:$0x7] =	wrdreg s1;
	s11 =	sadd.s32 $0x800, s11  }
.LBB2_1:
0x14: {  	s1 =	rddreg [dreg:$0x7]  }
0x15: {  	[tilespmem:s12], [sflag:$0x5] =	stream.linear.gather [hbm4b:s1+s4], $0x2710, $0x38;
	[tilespmem:$0x1FF00] =	vst v63  }
0x16: {  	_ =	swait.ge [sflag:s13], $0x2710  }
0x17: {  	[sflag:s13] =	ssyncset.done $0x0  }
0x18: {  	s31 =	simm.s32 $0x16000;
	[sflag:s13] =	ssyncadd.s32 $0xFFFFD8F0  }
0x19: {  	[tilespmem:s31], [sflag:$0x5] =	stream.linear.gather [hbm4b:s6+s4], $0x2710, $0x38;
	[tilespmem:$0x1FF00] =	vst v63  }
0x1a: {  	_ =	swait.ge [sflag:s13], $0x2710  }
0x1b: {  	[sflag:s13] =	ssyncset.done $0x0  }
0x1c: {  	[sflag:s13] =	ssyncadd.s32 $0xFFFFD8F0  }
0x1d: {  	[tilespmem:s15], [sflag:$0x5] =	stream.linear.gather [hbm4b:s7+s4], $0x2710, $0x38;
	[tilespmem:$0x1FF00] =	vst v63  }
0x1e: {  	_ =	swait.ge [sflag:s13], $0x2710  }
0x1f: {  	[sflag:s13] =	ssyncset.done $0x0  }
0x20: {  	s3 =	simm.s32 $0x200;
	s1 =	simm.s32 $0x0;
	[sflag:s13] =	ssyncadd.s32 $0xFFFFD8F0  }
.LBB2_2:
0x21: {  	p0 =	sne.s32 s3, $0x9E00;
	[tilespmem:s1+$0x1D770] =	vst v0  }
0x22: {  	[tilespmem:s1+$0x1D700] =	vst v0  }
0x23: {  	[tilespmem:s1+$0x1D710] =	vst v0  }
.Ltmp0:
0x24: {  	[tilespmem:s1+$0x1D720] =	vst v0;
	(pc) =	sbr.rel @p0 .LBB2_2-.Ltmp0, $4  }
0x25: {  	[tilespmem:s1+$0x1D730] =	vst v0  }
0x26: {  	[tilespmem:s1+$0x1D740] =	vst v0  }
0x27: {  	[tilespmem:s1+$0x1D750] =	vst v0  }
0x28: {  	[tilespmem:s1+$0x1D760] =	vst v0;
	s1 =	sshra.s32 s3, $0x2;
	s3 =	sadd.s32 $0x200, s3  }
0x29: {  	[tilespmem:s1+$0x1D770] =	vst v0  }
0x2a: {  	[tilespmem:s1+$0x1D700] =	vst v0  }
0x2b: {  	[tilespmem:s1+$0x1D710] =	vst v0  }
0x2c: {  	[tilespmem:s1+$0x1D720] =	vst v0  }
0x2d: {  	[tilespmem:s1+$0x1D730] =	vst v0  }
0x2e: {  	[tilespmem:s1+$0x1D740] =	vst v0;
	p0 =	sne.s32 s8, $0x1  }
.Ltmp1:
0x2f: {  	[tilespmem:s1+$0x1D750] =	vst v0;
	(pc) =	sbr.rel @!p0 .LBB2_5-.Ltmp1, $4  }
0x30: {  	[tilespmem:s1+$0x1D760] =	vst v0  }
0x31: {  	[spmem:s10] =	stream.linear.scatter [tilespmem:s16], [sflag:$0x5], $0x2800, $0x38;
	[tilespmem:$0x1FF00] =	vst v63  }
0x32: {  	_ =	swait.ge [sflag:s13], $0x2800  }
0x33: {  	s1 =	sadd.s32 $0xFFFFFFFF, s8;
	s3 =	smov.u32 s10;
	[sflag:s13] =	ssyncset.done $0x0  }
.LBB2_4:
0x34: {  	p1 =	sne.s32 s1, $0x1;
	[sflag:s13] =	ssyncadd.s32 $0xFFFFD800;
	s3 =	sadd.s32 $0x28000, s3  }
.Ltmp2:
0x35: {  	s1 =	sadd.s32 $0xFFFFFFFF, s1;
	(pc) =	sbr.rel @p1 .LBB2_4-.Ltmp2, $4  }
0x36: {  	_ = 	snop  }
0x37: {  	[spmem:s3] =	stream.linear.scatter [tilespmem:s16], [sflag:$0x5], $0x2800, $0x38;
	[tilespmem:$0x1FF00] =	vst v63  }
0x38: {  	_ =	swait.ge [sflag:s13], $0x2800  }
0x39: {  	[sflag:s13] =	ssyncset.done $0x0  }
.LBB2_5:
0x3a: {  	[sflag:s13] =	ssyncadd.s32 $0xFFFFD800  }
0x3b: {  	s28 =	simm.s32 $0x28;
	s1 =	simm.s32 $0x1AF00;
	[bflag:$0x0] =	sbarrier.arrive $0xFFFF  }
0x3c: {  	[tilespmem:s1], [sflag:$0x1] =	stream.indirect.gather [hbm4b:s0+s28], $0x80, s12, s28, $0xb8;
	[tilespmem:$0x1FF00] =	vst v63  }
0x3d: {  	s31 =	simm.s32 $0x138A8;
	s29 =	simm.s32 $0x0;
	s30 =	simm.s32 $0x0  }
0x3e: {  	[tilespmem:s19], [sflag:$0x2] =	stream.indirect.gather [hbm4b:s0+s28], $0x80, s31, s28, $0xb8;
	[tilespmem:$0x1FF00] =	vst v63  }
.LBB2_6:
0x3f: {  	_ =	swait.ge [sflag:s20], $0x1400  }
0x40: {  	p1 =	seq.s32 s30, $0x0;
	v1 =	vmov s29;
	[sflag:s20] =	ssyncset.done $0x0  }
0x41: {  	s1 =	simm.s32 @!p1 $0x3;
	[sflag:s20] =	ssyncadd.s32 $0xFFFFEC00  }
0x42: {  	_ =	swait.ge @!p1 [sflag:s1], $0x1400  }
0x43: {  	[sflag:s1] =	ssyncset.done @!p1 $0x0  }
0x44: {  	[sflag:s1] =	ssyncadd.s32 @!p1 $0xFFFFEC00  }
0x45: {  	s14 =	simm.s32 $0x0;
	v8 =	vld.idx.msk [tilespmem:v1+s15+$0x0], $0xffff  }
0x46: {  	v1 =	vld [tilespmem:s14+$0x1AF70]  }
0x47: {  	v2 =	vld [tilespmem:s14+$0x1AF00]  }
0x48: {  	v3 =	vld [tilespmem:s14+$0x1AF10]  }
0x49: {  	s18 =	sadd.s32 $0x1, s29;
	v4 =	vld [tilespmem:s14+$0x1AF20]  }
0x4a: {  	v5 =	vmov s18;
	v6 =	vld [tilespmem:s14+$0x1AF30]  }
0x4b: {  	v7 =	vld [tilespmem:s14+$0x1AF40];
	v1 =	vmul.f32 v1, v8  }
0x4c: {  	v9 =	vld [tilespmem:s14+$0x1AF50];
	v2 =	vmul.f32 v2, v8  }
0x4d: {  	s31 =	simm.s32 $0x80;
	v10 =	vld [tilespmem:s14+$0x1AF60];
	v11 =	vmul.f32 v3, v8;
	[tilespmem:s14+$0x1D770] =	vst v1  }
0x4e: {  	v4 =	vmul.f32 v4, v8;
	v3 =	vld [tilespmem:s31+$0x1AF70];
	[tilespmem:s14+$0x1D700] =	vst v2  }
0x4f: {  	v1 =	vld.idx.msk [tilespmem:v5+s15+$0x0], $0xffff;
	[tilespmem:s14+$0x1D710] =	vst v11;
	v5 =	vmul.f32 v6, v8  }
0x50: {  	v2 =	vld [tilespmem:s31+$0x1AF00];
	[tilespmem:s14+$0x1D720] =	vst v4;
	v11 =	vmul.f32 v7, v8  }
0x51: {  	s18 =	sadd.s32 $0x1, s18;
	v4 =	vld [tilespmem:s31+$0x1AF10];
	v7 =	vmul.f32 v9, v8;
	[tilespmem:s14+$0x1D730] =	vst v5  }
0x52: {  	s17 =	simm.s32 $0x400;
	s3 =	simm.s32 $0x600;
	s1 =	sshll.u32 s30, $0x1;
	v6 =	vmov s18;
	v8 =	vmul.f32 v10, v8;
	v5 =	vld [tilespmem:s31+$0x1AF20];
	[tilespmem:s14+$0x1D740] =	vst v11  }
.LBB2_7:
0x53: {  	p2 =	sne.s32 s3, $0x4E00;
	v9 =	vld [tilespmem:s31+$0x1AF30];
	[tilespmem:s14+$0x1D750] =	vst v7  }
0x54: {  	v7 =	vld [tilespmem:s31+$0x1AF40];
	v3 =	vmul.f32 v3, v1;
	[tilespmem:s14+$0x1D760] =	vst v8;
	v8 =	vmov v1;
	s14 =	smov.u32 s31  }
0x55: {  	v2 =	vmul.f32 v2, v8;
	v10 =	vld [tilespmem:s14+$0x1AF50]  }
0x56: {  	v4 =	vmul.f32 v4, v8;
	v11 =	vld [tilespmem:s14+$0x1AF60];
	[tilespmem:s14+$0x1D770] =	vst v3  }
.Ltmp3:
0x57: {  	s31 =	sshra.s32 s17, $0x2;
	s17 =	smov.u32 s3;
	v1 =	vld.idx.msk [tilespmem:v6+s15+$0x0], $0xffff;
	[tilespmem:s14+$0x1D700] =	vst v2;
	v5 =	vmul.f32 v5, v8;
	(pc) =	sbr.rel @p2 .LBB2_7-.Ltmp3, $4  }
0x58: {  	v3 =	vld [tilespmem:s31+$0x1AF70];
	[tilespmem:s14+$0x1D710] =	vst v4;
	v6 =	vmul.f32 v9, v8  }
0x59: {  	v2 =	vld [tilespmem:s31+$0x1AF00];
	[tilespmem:s14+$0x1D720] =	vst v5;
	v9 =	vmul.f32 v7, v8  }
0x5a: {  	s18 =	sadd.s32 $0x1, s18;
	v4 =	vld [tilespmem:s31+$0x1AF10];
	[tilespmem:s14+$0x1D730] =	vst v6;
	v7 =	vmul.f32 v10, v8  }
0x5b: {  	s3 =	sadd.s32 $0x200, s3;
	v6 =	vmov s18;
	v5 =	vld [tilespmem:s31+$0x1AF20];
	[tilespmem:s14+$0x1D740] =	vst v9;
	v8 =	vmul.f32 v11, v8  }
0x5c: {  	v9 =	vld [tilespmem:s31+$0x1AF30]  }
0x5d: {  	v10 =	vld [tilespmem:s31+$0x1AF40]  }
0x5e: {  	[tilespmem:s14+$0x1D750] =	vst v7;
	v7 =	vld [tilespmem:s31+$0x1AF50];
	v3 =	vmul.f32 v3, v1  }
0x5f: {  	[tilespmem:s14+$0x1D760] =	vst v8;
	v8 =	vld [tilespmem:s31+$0x1AF60];
	v2 =	vmul.f32 v2, v1  }
0x60: {  	s3 =	sshra.s32 s17, $0x2;
	v4 =	vmul.f32 v4, v1;
	[tilespmem:s31+$0x1D770] =	vst v3;
	v3 =	vld.idx.msk [tilespmem:v6+s15+$0x0], $0xffff  }
0x61: {  	[tilespmem:s31+$0x1D700] =	vst v2;
	v2 =	vmul.f32 v5, v1;
	v5 =	vld [tilespmem:s3+$0x1AF70]  }
0x62: {  	v6 =	vld [tilespmem:s3+$0x1AF00];
	[tilespmem:s31+$0x1D710] =	vst v4;
	v4 =	vmul.f32 v9, v1  }
0x63: {  	v9 =	vld [tilespmem:s3+$0x1AF10];
	[tilespmem:s31+$0x1D720] =	vst v2;
	v2 =	vmul.f32 v10, v1  }
0x64: {  	[tilespmem:s31+$0x1D730] =	vst v4;
	v4 =	vmul.f32 v7, v1;
	v7 =	vld [tilespmem:s3+$0x1AF20]  }
0x65: {  	v1 =	vmul.f32 v8, v1;
	[tilespmem:s31+$0x1D740] =	vst v2;
	v2 =	vld [tilespmem:s3+$0x1AF30]  }
0x66: {  	[tilespmem:s31+$0x1D750] =	vst v4;
	v4 =	vld [tilespmem:s3+$0x1AF40];
	v5 =	vmul.f32 v5, v3  }
0x67: {  	[tilespmem:s31+$0x1D760] =	vst v1;
	v1 =	vmul.f32 v6, v3;
	v6 =	vld [tilespmem:s3+$0x1AF50]  }
0x68: {  	v8 =	vmul.f32 v9, v3;
	v9 =	vld [tilespmem:s3+$0x1AF60];
	[tilespmem:s3+$0x1D770] =	vst v5  }
0x69: {  	[tilespmem:s3+$0x1D700] =	vst v1;
	v1 =	vmul.f32 v7, v3  }
0x6a: {  	[tilespmem:s3+$0x1D710] =	vst v8;
	v2 =	vmul.f32 v2, v3  }
0x6b: {  	[tilespmem:s3+$0x1D720] =	vst v1;
	v1 =	vmul.f32 v4, v3  }
0x6c: {  	s5 =	smul.u32 $0x140, s30;
	[tilespmem:s3+$0x1D730] =	vst v2;
	v2 =	vmul.f32 v6, v3  }
0x6d: {  	[tilespmem:s3+$0x1D740] =	vst v1;
	v1 =	vmul.f32 v9, v3  }
0x6e: {  	p2 =	seq.s32 s30, $0x7C;
	s31 =	sshra.s32 s5, $0x2;
	[tilespmem:s3+$0x1D750] =	vst v2  }
0x6f: {  	s17 =	sadd.s32 $0x16000, s31;
	[tilespmem:s3+$0x1D760] =	vst v1;
	s3 =	sshra.s32 @!p2 s5, $0x2  }
0x70: {  	[spmem:s2] =	stream.indirect.scatter.add.f32 [tilespmem:s16], [sflag:$0x3], $0x80, s17, s21, $0xb8;
	[tilespmem:$0x1FF00] =	vst v63  }
0x71: {  	s14 =	simm.s32 @!p2 $0x1AF00;
	s5 =	simm.s32 @!p2 $0x28;
	s3 =	sadd.s32 @!p2 $0x138D0, s3  }
0x72: {  	[tilespmem:s14], [sflag:$0x1] =	stream.indirect.gather @!p2 [hbm4b:s0+s5], $0x80, s3, s5, $0xb8;
	[tilespmem:$0x1FF00] =	vst v63  }
0x73: {  	_ =	swait.ge [sflag:s22], $0x1400  }
0x74: {  	v1 =	vmov s28;
	[sflag:s22] =	ssyncset.done $0x0  }
0x75: {  	s3 =	simm.s32 @!p1 $0x4;
	[sflag:s22] =	ssyncadd.s32 $0xFFFFEC00  }
0x76: {  	_ =	swait.ge @!p1 [sflag:s3], $0x1400  }
0x77: {  	[sflag:s3] =	ssyncset.done @!p1 $0x0  }
0x78: {  	[sflag:s3] =	ssyncadd.s32 @!p1 $0xFFFFEC00  }
0x79: {  	s17 =	simm.s32 $0x0;
	v8 =	vld.idx.msk [tilespmem:v1+s15+$0x0], $0xffff  }
0x7a: {  	v1 =	vld [tilespmem:s17+$0x1C370]  }
0x7b: {  	v2 =	vld [tilespmem:s17+$0x1C300]  }
0x7c: {  	v3 =	vld [tilespmem:s17+$0x1C310]  }
0x7d: {  	s18 =	sadd.s32 $0x1, s28;
	v4 =	vld [tilespmem:s17+$0x1C320]  }
0x7e: {  	v5 =	vmov s18;
	v6 =	vld [tilespmem:s17+$0x1C330]  }
0x7f: {  	v7 =	vld [tilespmem:s17+$0x1C340];
	v1 =	vmul.f32 v1, v8  }
0x80: {  	v9 =	vld [tilespmem:s17+$0x1C350];
	v2 =	vmul.f32 v2, v8  }
0x81: {  	s14 =	simm.s32 $0x80;
	v10 =	vld [tilespmem:s17+$0x1C360];
	v11 =	vmul.f32 v3, v8;
	[tilespmem:s17+$0x1EB70] =	vst v1  }
0x82: {  	v4 =	vmul.f32 v4, v8;
	v3 =	vld [tilespmem:s14+$0x1C370];
	[tilespmem:s17+$0x1EB00] =	vst v2  }
0x83: {  	v1 =	vld.idx.msk [tilespmem:v5+s15+$0x0], $0xffff;
	[tilespmem:s17+$0x1EB10] =	vst v11;
	v5 =	vmul.f32 v6, v8  }
0x84: {  	v2 =	vld [tilespmem:s14+$0x1C300];
	[tilespmem:s17+$0x1EB20] =	vst v4;
	v11 =	vmul.f32 v7, v8  }
0x85: {  	s3 =	sadd.s32 $0x1, s18;
	v4 =	vld [tilespmem:s14+$0x1C310];
	v7 =	vmul.f32 v9, v8;
	[tilespmem:s17+$0x1EB30] =	vst v5  }
0x86: {  	s1 =	sor.u32 $0x1, s1;
	s5 =	simm.s32 $0x600;
	s18 =	simm.s32 $0x400;
	v6 =	vmov s3;
	v8 =	vmul.f32 v10, v8;
	v5 =	vld [tilespmem:s14+$0x1C320];
	[tilespmem:s17+$0x1EB40] =	vst v11  }
.LBB2_9:
0x87: {  	p1 =	sne.s32 s5, $0x4E00;
	v9 =	vld [tilespmem:s14+$0x1C330];
	[tilespmem:s17+$0x1EB50] =	vst v7  }
0x88: {  	v7 =	vld [tilespmem:s14+$0x1C340];
	v3 =	vmul.f32 v3, v1;
	[tilespmem:s17+$0x1EB60] =	vst v8;
	v8 =	vmov v1;
	s17 =	smov.u32 s14  }
0x89: {  	v2 =	vmul.f32 v2, v8;
	v10 =	vld [tilespmem:s17+$0x1C350]  }
0x8a: {  	v4 =	vmul.f32 v4, v8;
	v11 =	vld [tilespmem:s17+$0x1C360];
	[tilespmem:s17+$0x1EB70] =	vst v3  }
.Ltmp4:
0x8b: {  	s14 =	sshra.s32 s18, $0x2;
	s18 =	smov.u32 s5;
	v1 =	vld.idx.msk [tilespmem:v6+s15+$0x0], $0xffff;
	[tilespmem:s17+$0x1EB00] =	vst v2;
	v5 =	vmul.f32 v5, v8;
	(pc) =	sbr.rel @p1 .LBB2_9-.Ltmp4, $4  }
0x8c: {  	v3 =	vld [tilespmem:s14+$0x1C370];
	[tilespmem:s17+$0x1EB10] =	vst v4;
	v6 =	vmul.f32 v9, v8  }
0x8d: {  	v2 =	vld [tilespmem:s14+$0x1C300];
	[tilespmem:s17+$0x1EB20] =	vst v5;
	v9 =	vmul.f32 v7, v8  }
0x8e: {  	s3 =	sadd.s32 $0x1, s3;
	v4 =	vld [tilespmem:s14+$0x1C310];
	[tilespmem:s17+$0x1EB30] =	vst v6;
	v7 =	vmul.f32 v10, v8  }
0x8f: {  	s5 =	sadd.s32 $0x200, s5;
	v6 =	vmov s3;
	v5 =	vld [tilespmem:s14+$0x1C320];
	[tilespmem:s17+$0x1EB40] =	vst v9;
	v8 =	vmul.f32 v11, v8  }
0x90: {  	v9 =	vld [tilespmem:s14+$0x1C330]  }
0x91: {  	v10 =	vld [tilespmem:s14+$0x1C340]  }
0x92: {  	[tilespmem:s17+$0x1EB50] =	vst v7;
	v52 =	vld [tilespmem:s14+$0x1C350];
	v3 =	vmul.f32 v3, v1  }
0x93: {  	v53 =	vld [tilespmem:s14+$0x1C360];
	s3 =	sshra.s32 s18, $0x2;
	[tilespmem:s17+$0x1EB60] =	vst v8;
	v2 =	vmul.f32 v2, v1  }
0x94: {  	v56 =	vld [tilespmem:s3+$0x1C300];
	v4 =	vmul.f32 v4, v1;
	[tilespmem:s14+$0x1EB70] =	vst v3  }
0x95: {  	v3 =	vld.idx.msk [tilespmem:v6+s15+$0x0], $0xffff;
	[tilespmem:s14+$0x1EB00] =	vst v2;
	v2 =	vmul.f32 v5, v1  }
0x96: {  	v54 =	vld [tilespmem:s3+$0x1C370];
	[tilespmem:s14+$0x1EB10] =	vst v4;
	v55 =	vmul.f32 v9, v1  }
0x97: {  	v59 =	vld [tilespmem:s3+$0x1C320];
	[tilespmem:s14+$0x1EB20] =	vst v2;
	v2 =	vmul.f32 v10, v1  }
0x98: {  	v57 =	vld [tilespmem:s3+$0x1C310];
	v58 =	vmul.f32 v52, v1;
	v1 =	vmul.f32 v53, v1;
	[tilespmem:s14+$0x1EB30] =	vst v55  }
0x99: {  	v60 =	vld [tilespmem:s3+$0x1C340];
	[tilespmem:s14+$0x1EB40] =	vst v2  }
0x9a: {  	v2 =	vld [tilespmem:s3+$0x1C330];
	[tilespmem:s14+$0x1EB60] =	vst v1;
	v1 =	vmul.f32 v56, v3  }
0x9b: {  	v63 =	vld [tilespmem:s3+$0x1C360];
	[tilespmem:s14+$0x1EB50] =	vst v58;
	v5 =	vmul.f32 v54, v3  }
0x9c: {  	v61 =	vld [tilespmem:s3+$0x1C350];
	[tilespmem:s3+$0x1EB00] =	vst v1;
	v1 =	vmul.f32 v59, v3  }
0x9d: {  	v62 =	vmul.f32 v57, v3;
	[tilespmem:s3+$0x1EB70] =	vst v5  }
0x9e: {  	[tilespmem:s3+$0x1EB20] =	vst v1;
	v1 =	vmul.f32 v60, v3  }
0x9f: {  	s1 =	smul.u32 $0xA0, s1;
	[tilespmem:s3+$0x1EB10] =	vst v62;
	v2 =	vmul.f32 v2, v3  }
.Ltmp5:
0xa0: {  	[tilespmem:s3+$0x1EB40] =	vst v1;
	v1 =	vmul.f32 v63, v3;
	(pc) =	sbr.rel @p2 .LBB2_12-.Ltmp5, $4  }
0xa1: {  	[tilespmem:s3+$0x1EB30] =	vst v2;
	v2 =	vmul.f32 v61, v3  }
0xa2: {  	s1 =	sshra.s32 s1, $0x2;
	[tilespmem:s3+$0x1EB60] =	vst v1  }
0xa3: {  	s1 =	sadd.s32 $0x16000, s1;
	[tilespmem:s3+$0x1EB50] =	vst v2  }
0xa4: {  	[spmem:s2] =	stream.indirect.scatter.add.f32 [tilespmem:s23], [sflag:$0x4], $0x80, s1, s21, $0xb8;
	[tilespmem:$0x1FF00] =	vst v63  }
.Ltmp6:
0xa5: {  	(pc) =	sbr.rel .LBB2_6-.Ltmp6, $4  }
0xa6: {  	_ = 	snop  }
0xa7: {  	s1 =	sadd.s32 $0x138F8, s31  }
0xa8: {  	s30 =	sadd.s32 $0x1, s30;
	s29 =	sadd.s32 $0x50, s29;
	s28 =	sadd.s32 $0x50, s28  }
0xa9: {  	[tilespmem:s19], [sflag:$0x2] =	stream.indirect.gather [hbm4b:s0+s21], $0x80, s1, s21, $0xb8;
	[tilespmem:$0x1FF00] =	vst v63  }
.LBB2_12:
0xaa: {  	_ =	swait.ge [sflag:s24], $0x1400  }
0xab: {  	[sflag:s24] =	ssyncset.done $0x0  }
0xac: {  	[sflag:s24] =	ssyncadd.s32 $0xFFFFEC00  }
0xad: {  	_ =	swait.ge [sflag:s25], $0x1400  }
.Ltmp7:
0xae: {  	s1 =	stileid.u32;
	[sflag:s25] =	ssyncset.done $0x0;
	(pc) =	sbr.rel @!p0 .LBB2_14-.Ltmp7, $4  }
0xaf: {  	s3 =	sshrl.u32 s10, $0x3;
	s1 =	sshll.u32 s1, $0x6;
	[sflag:s25] =	ssyncadd.s32 $0xFFFFEC00  }
0xb0: {  	s5 =	sadd.s32 $0x5000, s11;
	s1 =	sor.u32 $0x1C05, s1;
	[bflag:$0x0] =	sbarrier.arrive $0xFFFF  }
0xb1: {  	[hbm:s11], [sflag:s1] =	dma.local [spmem:s3], $0x500  }
0xb2: {  	s14 =	smov.u32 s10;
	s3 =	sadd.s32 $0xFFFFFFFF, s8;
	_ =	swait.ge [sflag:s13], $0x500  }
.LBB2_13:
0xb3: {  	[sflag:s13] =	ssyncset.done $0x0;
	s14 =	sadd.s32 $0x28000, s14;
	p0 =	sne.s32 s3, $0x1  }
.Ltmp8:
0xb4: {  	s17 =	sshrl.u32 s14, $0x3;
	[sflag:s13] =	ssyncadd.s32 $0xFFFFFB00;
	(pc) =	sbr.rel @p0 .LBB2_13-.Ltmp8, $3  }
0xb5: {  	[hbm:s5], [sflag:s1] =	dma.local [spmem:s17], $0x500  }
0xb6: {  	s3 =	sadd.s32 $0xFFFFFFFF, s3;
	_ =	sdelay $0x1  }
0xb7: {  	s5 =	sadd.s32 $0x5000, s5;
	_ =	swait.ge [sflag:s13], $0x500  }
.LBB2_14:
0xb8: {  	s26 =	sadd.s32 $0x1, s26  }
0xb9: {  	p0 =	sne.s32 s26, s9  }
.Ltmp9:
0xba: {  	_ = 	snop;
	(pc) =	sbr.rel @p0 .LBB2_1-.Ltmp9, $3  }
0xbb: {  	_ =	sdelay $0x1  }
0xbc: {  	[sflag:s13] =	ssyncset.done $0x0  }
0xbd: {  	[sflag:s13] =	ssyncadd.s32 $0xFFFFFB00  }
0xbe: {  	_ =	sfence.sel $0x180000  }
0xbf: {  	[bflag:$0x0] =	sbarrier.arrive $0xFFFF  }
0xc0: {  	_ =	strace $0x90000047  }
0xc1: {  	s0 =	stileid.u32;
	[bflag:$0x2] =	sbarrier.arrive $0xFFFF  }
0xc2: {  	p0 =	sne.s32 s0, $0x0;
	s0 =	rddreg [dreg:$0x6]  }
0xc3: {  	s0 =	sadd.s32 @!p0 $0x100000, s0  }
0xc4: {  	[sflag:s0] =	ssyncadd.tile.s32 @!p0 $0x1;
	_ =	shalt  }
.Lfunc_end2:
_tile_overlayer_lowered:
.L_overlay_start_2:
0xc5: {  	(tag) =	ssettag $0x2  }
0xc6: {  	s0 =	rddreg [dreg:$0x0];
	s2 =	stileid.u32  }
0xc7: {  	s1 =	rddreg [dreg:$0x1];
	p0 =	sne.s32 s2, $0x0  }
0xc8: {  	s3 =	rddreg [dreg:$0x2];
	[bflag:$0x3] =	sbarrier.arrive $0xFFFF;
	s2 =	simm.s32 @!p0 $0x1C05  }
0xc9: {  	[timem:s3], [sflag:s2] =	dma.local @!p0 [hbm:s0], s1  }
0xca: {  	s0 =	simm.s32 @!p0 $0x5  }
0xcb: {  	_ =	swait.ge @!p0 [sflag:s0], s1  }
0xcc: {  	s1 =	ssub.s32 @!p0 $0x0, s1;
	[sflag:s0] =	ssyncset.done @!p0 $0x0  }
0xcd: {  	[sflag:s0] =	ssyncadd.s32 @!p0 s1  }
0xce: {  	[bflag:$0x3] =	sbarrier.arrive $0xFFFF  }
0xcf: {  	_ =	shalt  }

// kernel: kernel.9.cloned.1.call-start
scs
__scs_entry_jumppad:
0x0: {  	(pc) =	sbr.rel $0x88, $3  }
0x1: {  	(tag) =	ssettag $0x0;
	lr =	simm.s32 $0x1  }
0x2: {  	[smem:$0x3F9B] =	sst lr;
	_ =	strace $0xD0000000  }
0x3: {  	_ = 	snop  }
0x4: {  	_ = 	snop  }
0x5: {  	_ = 	snop  }
0x6: {  	_ = 	snop  }
0x7: {  	_ = 	snop  }
__scs_overlays_trampoline_lowered:
0x8: {  	[smem:$0x3FAA] =	sst s0  }
0x9: {  	[smem:$0x3FAB] =	sst s1  }
0xa: {  	[smem:$0x3FAC] =	sst s2  }
0xb: {  	[smem:$0x3FAD] =	sst s3  }
0xc: {  	[smem:$0x3FAE] =	sst s4  }
0xd: {  	[smem:$0x3FAF] =	sst s5  }
0xe: {  	[smem:$0x3FB0] =	sst s6  }
0xf: {  	[smem:$0x3FB1] =	sst s7  }
0x10: {  	[smem:$0x3FB2] =	sst s8  }
0x11: {  	[smem:$0x3FB3] =	sst s9;
	s0 =	simm.s32 @!p0 $0x0  }
0x12: {  	s1 =	sld [smem:$0x3F99];
	s0 =	simm.s32 @p0 $0x1  }
0x13: {  	[smem:$0x3FB4] =	sst s0;
	s0 =	simm.s32 @!p1 $0x0  }
0x14: {  	s2 =	sld [smem:$0x3F98];
	s0 =	simm.s32 @p1 $0x1  }
0x15: {  	[smem:$0x3FB5] =	sst s0;
	s0 =	simm.s32 @!p2 $0x0  }
0x16: {  	s3 =	sld [smem:$0x3FDB];
	s0 =	simm.s32 @p2 $0x1  }
0x17: {  	s4 =	simm.s32 $0x1BF5;
	[smem:$0x3FB7] =	sst s0  }
0x18: {  	s0 =	sld [smem:$0x3F9A];
	_ =	swait.ge [sflag:s4], $0x0  }
0x19: {  	s7 =	sld [smem:$0x3F9B]  }
0x1a: {  	s8 =	sadd.s32 $0xFFFFE003, lr  }
0x1b: {  	s9 =	sadd.s32 $0xFFFFFEF7, lr;
	s5 =	simm.s32 $0xFFFFFFFF;
	p2 =	slt.u32 s8, $0xFFFFF086  }
0x1c: {  	p1 =	slt.u32 s9, $0xF7A;
	s5 =	simm.s32 @!p2 $0x0  }
0x1d: {  	s5 =	simm.s32 @p1 $0x1;
	p0 =	seq.s32 s7, s2  }
0x1e: {  	s7 =	smul.u32 @!p0 $0xF7A, s2;
	p2 =	seq.s32 @!p0 s5, $0x0  }
0x1f: {  	s9 =	smul.u32 $0xF7A, s1;
	s8 =	simm.s32 @!p0 $0x1BF5;
	p2 =	por !p2, p0  }
0x20: {  	[sflag:s8] =	ssyncset.s32 @!p0 $0xFFFFF086;
	s6 =	sadd.s32 @!p0 s3, s7;
	s7 =	simm.s32 @!p0 $0x108  }
0x21: {  	s3 =	sadd.s32 s3, s9;
	s6 =	sadd.s32 @!p0 $0x88, s6;
	s7 =	simm.s32 @p2 $0x1082  }
0x22: {  	[simem:s7], [sflag:s8] =	dma.local @!p0 [hbm:s6], $0xF7A  }
0x23: {  	s9 =	sor.u32 $0xD0000000, s2;
	s6 =	simm.s32 $0x108;
	_ =	swait.ge @!p0 [sflag:s8], $0x0  }
0x24: {  	s3 =	sadd.s32 $0x88, s3;
	s6 =	simm.s32 @!p1 $0x1082;
	[sflag:s4] =	ssyncset.s32 $0xFFFFF086  }
0x25: {  	[simem:s6], [sflag:s4] =	dma.local [hbm:s3], $0xF7A  }
0x26: {  	[smem:$0x3F9B] =	sst s1;
	(tag) =	ssettag s2;
	_ =	strace s9  }
0x27: {  	s1 =	sld [smem:$0x3FAB]  }
0x28: {  	s2 =	sld [smem:$0x3FAC]  }
0x29: {  	s4 =	sld [smem:$0x3FAE]  }
0x2a: {  	p0 =	seq.s32 s5, $0x0;
	s5 =	sld [smem:$0x3FAF]  }
0x2b: {  	s6 =	sld [smem:$0x3FB0]  }
0x2c: {  	s7 =	sld [smem:$0x3FB1]  }
0x2d: {  	s3 =	simm.s32 $0x108;
	s8 =	sld [smem:$0x3FB2]  }
0x2e: {  	s3 =	simm.s32 @!p0 $0x1082;
	s9 =	sld [smem:$0x3FB3]  }
0x2f: {  	lr =	sadd.s32 s0, s3;
	s0 =	sld [smem:$0x3FAA]  }
0x30: {  	s3 =	sld [smem:$0x3FAD]  }
0x31: {  	[smem:$0x3FB6] =	sst s10  }
0x32: {  	s10 =	sld [smem:$0x3FB4];
	_ =	sdelay $0x3  }
0x33: {  	p0 =	seq.s32 s10, $0x1;
	s10 =	sld [smem:$0x3FB6];
	_ =	sdelay $0x3  }
0x34: {  	[smem:$0x3FB6] =	sst s10  }
0x35: {  	s10 =	sld [smem:$0x3FB5];
	_ =	sdelay $0x3  }
0x36: {  	p1 =	seq.s32 s10, $0x1;
	s10 =	sld [smem:$0x3FB6];
	_ =	sdelay $0x3  }
0x37: {  	[smem:$0x3FB6] =	sst s10  }
0x38: {  	s10 =	sld [smem:$0x3FB7]  }
0x39: {  	_ = 	snop;
	(pc) =	sbr.ind lr, $3  }
0x3a: {  	_ = 	snop  }
0x3b: {  	_ = 	snop  }
0x3c: {  	p2 =	seq.s32 s10, $0x1;
	s10 =	sld [smem:$0x3FB6]  }
0x3d: {  	_ =	shalt  }
0x3e: {  	_ =	shalt  }
0x3f: {  	_ =	shalt  }
0x40: {  	_ =	shalt  }
0x41: {  	_ =	shalt  }
0x42: {  	_ =	shalt  }
0x43: {  	_ =	shalt  }
0x44: {  	_ =	shalt  }
0x45: {  	_ =	shalt  }
0x46: {  	_ =	shalt  }
0x47: {  	_ =	shalt  }
0x48: {  	_ =	shalt  }
0x49: {  	_ =	shalt  }
0x4a: {  	_ =	shalt  }
0x4b: {  	_ =	shalt  }
0x4c: {  	_ =	shalt  }
0x4d: {  	_ =	shalt  }
0x4e: {  	_ =	shalt  }
0x4f: {  	_ =	shalt  }
0x50: {  	_ =	shalt  }
0x51: {  	_ =	shalt  }
0x52: {  	_ =	shalt  }
0x53: {  	_ =	shalt  }
0x54: {  	_ =	shalt  }
0x55: {  	_ =	shalt  }
0x56: {  	_ =	shalt  }
0x57: {  	_ =	shalt  }
0x58: {  	_ =	shalt  }
0x59: {  	_ =	shalt  }
0x5a: {  	_ =	shalt  }
0x5b: {  	_ =	shalt  }
0x5c: {  	_ =	shalt  }
0x5d: {  	_ =	shalt  }
0x5e: {  	_ =	shalt  }
0x5f: {  	_ =	shalt  }
0x60: {  	_ =	shalt  }
0x61: {  	_ =	shalt  }
0x62: {  	_ =	shalt  }
0x63: {  	_ =	shalt  }
0x64: {  	_ =	shalt  }
0x65: {  	_ =	shalt  }
0x66: {  	_ =	shalt  }
0x67: {  	_ =	shalt  }
0x68: {  	_ =	shalt  }
0x69: {  	_ =	shalt  }
0x6a: {  	_ =	shalt  }
0x6b: {  	_ =	shalt  }
0x6c: {  	_ =	shalt  }
0x6d: {  	_ =	shalt  }
0x6e: {  	_ =	shalt  }
0x6f: {  	_ =	shalt  }
0x70: {  	_ =	shalt  }
0x71: {  	_ =	shalt  }
0x72: {  	_ =	shalt  }
0x73: {  	_ =	shalt  }
0x74: {  	_ =	shalt  }
0x75: {  	_ =	shalt  }
0x76: {  	_ =	shalt  }
0x77: {  	_ =	shalt  }
0x78: {  	_ =	shalt  }
0x79: {  	_ =	shalt  }
0x7a: {  	_ =	shalt  }
0x7b: {  	_ =	shalt  }
0x7c: {  	_ =	shalt  }
0x7d: {  	_ =	shalt  }
0x7e: {  	_ =	shalt  }
0x7f: {  	_ =	shalt  }
0x80: {  	_ =	shalt  }
0x81: {  	_ =	shalt  }
0x82: {  	_ =	shalt  }
0x83: {  	_ =	shalt  }
0x84: {  	_ =	shalt  }
0x85: {  	_ =	shalt  }
0x86: {  	_ =	shalt  }
0x87: {  	_ =	shalt  }
.Lfunc_end0:
.L_simem_size_0:
called_computation.1_lowered:
.L_overlay_start_0:
0x88: {  	s2 =	sld [smem:$0x3FD9]  }
0x89: {  	s3 =	sld [smem:$0x3FFE];
	_ =	sdelay $0x1  }
0x8a: {  	s1 =	srdreg.scid  }
0x8b: {  	s0 =	sand.u32 $0x1, s1  }
0x8c: {  	s17 =	sshll.u32 s0, $0xA;
	s2 =	sadd.s32 s3, s2  }
0x8d: {  	s2 =	sadd.s32 s2, s17  }
0x8e: {  	[smem:$0x3FC2] =	sst s2  }
0x8f: {  	_ = 	snop  }
0x90: {  	s2 =	sld [smem:$0x3FC5]  }
0x91: {  	s18 =	sld [smem:$0x3FD0];
	(tm) =	ssettm $0x1  }
0x92: {  	s4 =	sld [smem:$0x3FFB];
	_ =	sdelay $0x3  }
0x93: {  	_ =	strace s4  }
0x94: {  	s4 =	sld [smem:$0x3FFC];
	_ =	sdelay $0x3  }
0x95: {  	_ =	strace s4  }
0x96: {  	s4 =	sld [smem:$0x3FFD];
	_ =	sdelay $0x3  }
0x97: {  	_ =	strace s4  }
0x98: {  	_ =	strace $0x8FFFFFFF  }
0x99: {  	s19 =	sld [smem:$0x3FDB];
	_ =	sdelay $0x1  }
0x9a: {  	s5 =	simm.s32 $_scs_section_size  }
0x9b: {  	s6 =	simm.s32 $_size__tile_overlayer_lowered;
	s7 =	simm.s32 $_tile_overlayer_lowered  }
0x9c: {  	s22 =	simm.s32 $0x1BFF;
	s21 =	sshll.u32 s7, $0x1;
	s4 =	sadd.s32 s5, s19  }
0x9d: {  	s8 =	simm.s32 $0x0;
	s20 =	sshll.u32 s6, $0x1;
	s6 =	sadd.s32 s21, s4  }
0x9e: {  	[timem:s8], [sflag:s22] =	dma.local [hbm:s6], s20  }
0x9f: {  	_ =	swait.ge [sflag:s22], s20  }
0xa0: {  	s5 =	ssub.s32 $0x0, s20;
	[sflag:s22] =	ssyncset.done $0x0  }
0xa1: {  	[sflag:s22] =	ssyncadd.s32 s5;
	_ =	sdelay $0x1  }
0xa2: {  	s23 =	simm.s32 $0x1B8B  }
0xa3: {  	_ =	swait.ge [sflag:s23], $0x1  }
0xa4: {  	[sflag:s23] =	ssyncset.done $0x0  }
0xa5: {  	s25 =	simm.s32 $0x1B8E;
	s24 =	sld [smem:$0x3FFE];
	[sflag:s23] =	ssyncadd.s32 $0xFFFFFFFF  }
0xa6: {  	s26 =	simm.s32 $execute0_lowered;
	[smem:$0x3FD2] =	sst s25  }
0xa7: {  	s6 =	sshll.u32 s26, $0x1;
	_ =	strace $0x80000049;
	[dreg:$0x1] =	wrdreg $0xFFFFFFFF  }
0xa8: {  	s28 =	simm.s32 $_size_execute0_lowered;
	s4 =	sadd.s32 s4, s6;
	[dreg:$0x0] =	wrdreg $0x0  }
0xa9: {  	s6 =	sshll.u32 s28, $0x1;
	[dreg:$0x2] =	wrdreg s4  }
0xaa: {  	[dreg:$0x3] =	wrdreg s6  }
0xab: {  	[dreg:$0x4] =	wrdreg $0xC0  }
0xac: {  	_ =	task [dreg:s8], $0x5FFFF  }
0xad: {  	[dreg:$0x1] =	wrdreg $0xFFFFFFFF  }
0xae: {  	[dreg:$0x0] =	wrdreg $0x60  }
0xaf: {  	[dreg:$0x2] =	wrdreg s18  }
0xb0: {  	[dreg:$0x3] =	wrdreg s24  }
0xb1: {  	[dreg:$0x4] =	wrdreg s2  }
0xb2: {  	[dreg:$0x5] =	wrdreg $0x0  }
0xb3: {  	[dreg:$0x6] =	wrdreg $0x9  }
0xb4: {  	_ =	task.clear_ibuf [dreg:s8], $0x7FFFF;
	_ =	strace $0x90000049  }
0xb5: {  	s29 =	simm.s32 $0x9;
	_ =	strace $0x8000004B  }
0xb6: {  	_ =	swait.ge [sflag:s29], $0x1  }
0xb7: {  	[sflag:s29] =	ssyncadd.s32 $0xFFFFFFFF  }
0xb8: {  	_ =	strace $0x9000004B  }
0xb9: {  	_ =	sfence  }
0xba: {  	s30 =	sld [smem:$0x0];
	_ =	sdelay $0x2  }
0xbb: {  	s31 =	sshll.u32 s1, $0xD;
	s1 =	sshrl.u32 s1, $0x2  }
0xbc: {  	s3 =	sand.u32 $0x4000, s31;
	s1 =	sadd.s32 s1, s30  }
0xbd: {  	s0 =	sor.u32 s3, s0;
	s1 =	sshll.u32 s1, $0x11  }
0xbe: {  	s0 =	sor.u32 s1, s0  }
0xbf: {  	s0 =	sadd.s32 $0x8F2B, s0  }
0xc0: {  	[sflag:s0] =	ssyncadd.remote.s32 $0x1  }
0xc1: {  	_ =	sfence.sel $0xFFFF  }
0xc2: {  	[dreg:$0x0] =	wrdreg $0xFFFFFFFF;
	(pc) =	sbr.abs _section_cstart, $3  }
0xc3: {  	[dreg:$0x1] =	wrdreg $0xFFFFFFFF  }
0xc4: {  	_ =	task.clear_ibuf [dreg:s8], $0x2FFFF;
	_ =	strace $0x9FFFFFFF  }
0xc5: {  	(tm) =	ssettm $0x7FFFFFFF  }
tec
execute0_lowered:
.L_overlay_start_1:
0x0: {  	(tag) =	ssettag $0x1  }
0x1: {  	s1 =	rddreg [dreg:$0x0]  }
0x2: {  	s0 =	rddreg [dreg:$0x1]  }
0x3: {  	s2 =	rddreg [dreg:$0x2]  }
0x4: {  	s3 =	rddreg [dreg:$0x3]  }
0x5: {  	s4 =	srdreg.scid;
	s11 =	stileid.u32  }
0x6: {  	s12 =	simm.s32 $0x13880;
	s13 =	simm.s32 $0x5;
	s15 =	simm.s32 $0x18780  }
0x7: {  	s16 =	simm.s32 $0x1D700;
	s19 =	simm.s32 $0x1C300;
	s20 =	simm.s32 $0x1  }
0x8: {  	s21 =	simm.s32 $0x28;
	s22 =	simm.s32 $0x2;
	s23 =	simm.s32 $0x1EB00  }
0x9: {  	s24 =	simm.s32 $0x3;
	s5 =	sand.u32 $0x1, s4;
	s8 =	smul.u32 $0x2800, s11  }
0xa: {  	s4 =	simm.s32 $0x0;
	s10 =	smul.u32 $0xA000, s11;
	s30 =	ssub.s32 $0x8C, s11  }
0xb: {  	s6 =	sshll.u32 s5, $0x4;
	s7 =	smul.u32 $0x138800, s5;
	[smem:$0x7FF] =	sst s4  }
0xc: {  	s5 =	ssub.s32 $0x2, s5;
	s6 =	sor.u32 s11, s6;
	_ =	strace $0x8000004A  }
0xd: {  	s28 =	sshrl.u32 s5, $0x1;
	s31 =	sshrl.u32 s10, $0x2;
	s9 =	smul.u32 $0x4E2, s6  }
0xe: {  	s25 =	sadd.s32 s8, s7;
	s5 =	ssub.s32 s5, s28;
	s8 =	sshrl.u32 s30, $0x4  }
0xf: {  	s10 =	sadd.s32 s31, s3;
	s6 =	sshrl.u32 s25, $0x3;
	s25 =	simm.s32 $0x4  }
0x10: {  	s26 =	sadd.s32 s9, s0;
	s0 =	sadd.s32 s6, s0;
	s7 =	sadd.s32 s2, s9  }
0x11: {  	s9 =	smax.u32 s5, $0x1;
	s29 =	sadd.s32 $0x58800, s26;
	s6 =	sadd.s32 $0x4EA00, s26  }
0x12: {  	v0 =	vimm.f32 $0.0e+00;
	s11 =	sadd.s32 $0x800, s0;
	s26 =	simm.s32 $0x0;
	[dreg:$0x5] =	wrdreg s29  }
.LBB2_1:
0x13: {  	s0 =	rddreg [dreg:$0x5]  }
0x14: {  	[tilespmem:s12], [sflag:$0x5] =	stream.linear.gather [hbm4b:s0+s4], $0x2710, $0x38;
	[tilespmem:$0x1FF00] =	vst v63  }
0x15: {  	_ =	swait.ge [sflag:s13], $0x2710  }
0x16: {  	[sflag:s13] =	ssyncset.done $0x0  }
0x17: {  	s31 =	simm.s32 $0x16000;
	[sflag:s13] =	ssyncadd.s32 $0xFFFFD8F0  }
0x18: {  	[tilespmem:s31], [sflag:$0x5] =	stream.linear.gather [hbm4b:s6+s4], $0x2710, $0x38;
	[tilespmem:$0x1FF00] =	vst v63  }
0x19: {  	_ =	swait.ge [sflag:s13], $0x2710  }
0x1a: {  	[sflag:s13] =	ssyncset.done $0x0  }
0x1b: {  	[sflag:s13] =	ssyncadd.s32 $0xFFFFD8F0  }
0x1c: {  	[tilespmem:s15], [sflag:$0x5] =	stream.linear.gather [hbm4b:s7+s4], $0x2710, $0x38;
	[tilespmem:$0x1FF00] =	vst v63  }
0x1d: {  	_ =	swait.ge [sflag:s13], $0x2710  }
0x1e: {  	[sflag:s13] =	ssyncset.done $0x0  }
0x1f: {  	s2 =	simm.s32 $0x200;
	s0 =	simm.s32 $0x0;
	[sflag:s13] =	ssyncadd.s32 $0xFFFFD8F0  }
.LBB2_2:
0x20: {  	p0 =	sne.s32 s2, $0x9E00;
	[tilespmem:s0+$0x1D770] =	vst v0  }
0x21: {  	[tilespmem:s0+$0x1D700] =	vst v0  }
0x22: {  	[tilespmem:s0+$0x1D710] =	vst v0  }
.Ltmp0:
0x23: {  	[tilespmem:s0+$0x1D720] =	vst v0;
	(pc) =	sbr.rel @p0 .LBB2_2-.Ltmp0, $4  }
0x24: {  	[tilespmem:s0+$0x1D730] =	vst v0  }
0x25: {  	[tilespmem:s0+$0x1D740] =	vst v0  }
0x26: {  	[tilespmem:s0+$0x1D750] =	vst v0  }
0x27: {  	[tilespmem:s0+$0x1D760] =	vst v0;
	s0 =	sshra.s32 s2, $0x2;
	s2 =	sadd.s32 $0x200, s2  }
0x28: {  	[tilespmem:s0+$0x1D770] =	vst v0  }
0x29: {  	[tilespmem:s0+$0x1D700] =	vst v0  }
0x2a: {  	[tilespmem:s0+$0x1D710] =	vst v0  }
0x2b: {  	[tilespmem:s0+$0x1D720] =	vst v0  }
0x2c: {  	[tilespmem:s0+$0x1D730] =	vst v0  }
0x2d: {  	[tilespmem:s0+$0x1D740] =	vst v0;
	p0 =	sne.s32 s8, $0x1  }
.Ltmp1:
0x2e: {  	[tilespmem:s0+$0x1D750] =	vst v0;
	(pc) =	sbr.rel @!p0 .LBB2_5-.Ltmp1, $4  }
0x2f: {  	[tilespmem:s0+$0x1D760] =	vst v0  }
0x30: {  	[spmem:s10] =	stream.linear.scatter [tilespmem:s16], [sflag:$0x5], $0x2800, $0x38;
	[tilespmem:$0x1FF00] =	vst v63  }
0x31: {  	_ =	swait.ge [sflag:s13], $0x2800  }
0x32: {  	s0 =	sadd.s32 $0xFFFFFFFF, s8;
	s2 =	smov.u32 s10;
	[sflag:s13] =	ssyncset.done $0x0  }
.LBB2_4:
0x33: {  	p1 =	sne.s32 s0, $0x1;
	[sflag:s13] =	ssyncadd.s32 $0xFFFFD800;
	s2 =	sadd.s32 $0x28000, s2  }
.Ltmp2:
0x34: {  	s0 =	sadd.s32 $0xFFFFFFFF, s0;
	(pc) =	sbr.rel @p1 .LBB2_4-.Ltmp2, $4  }
0x35: {  	_ = 	snop  }
0x36: {  	[spmem:s2] =	stream.linear.scatter [tilespmem:s16], [sflag:$0x5], $0x2800, $0x38;
	[tilespmem:$0x1FF00] =	vst v63  }
0x37: {  	_ =	swait.ge [sflag:s13], $0x2800  }
0x38: {  	[sflag:s13] =	ssyncset.done $0x0  }
.LBB2_5:
0x39: {  	[sflag:s13] =	ssyncadd.s32 $0xFFFFD800  }
0x3a: {  	s28 =	simm.s32 $0x28;
	s0 =	simm.s32 $0x1AF00;
	[bflag:$0x0] =	sbarrier.arrive $0xFFFF  }
0x3b: {  	[tilespmem:s0], [sflag:$0x1] =	stream.indirect.gather [hbm4b:s1+s28], $0x80, s12, s28, $0xb8;
	[tilespmem:$0x1FF00] =	vst v63  }
0x3c: {  	s31 =	simm.s32 $0x138A8;
	s29 =	simm.s32 $0x0;
	s30 =	simm.s32 $0x0  }
0x3d: {  	[tilespmem:s19], [sflag:$0x2] =	stream.indirect.gather [hbm4b:s1+s28], $0x80, s31, s28, $0xb8;
	[tilespmem:$0x1FF00] =	vst v63  }
.LBB2_6:
0x3e: {  	_ =	swait.ge [sflag:s20], $0x1400  }
0x3f: {  	p1 =	seq.s32 s30, $0x0;
	v1 =	vmov s29;
	[sflag:s20] =	ssyncset.done $0x0  }
0x40: {  	s0 =	simm.s32 @!p1 $0x3;
	[sflag:s20] =	ssyncadd.s32 $0xFFFFEC00  }
0x41: {  	_ =	swait.ge @!p1 [sflag:s0], $0x1400  }
0x42: {  	[sflag:s0] =	ssyncset.done @!p1 $0x0  }
0x43: {  	[sflag:s0] =	ssyncadd.s32 @!p1 $0xFFFFEC00  }
0x44: {  	s14 =	simm.s32 $0x0;
	v8 =	vld.idx.msk [tilespmem:v1+s15+$0x0], $0xffff  }
0x45: {  	v1 =	vld [tilespmem:s14+$0x1AF70]  }
0x46: {  	v2 =	vld [tilespmem:s14+$0x1AF00]  }
0x47: {  	v3 =	vld [tilespmem:s14+$0x1AF10]  }
0x48: {  	s18 =	sadd.s32 $0x1, s29;
	v4 =	vld [tilespmem:s14+$0x1AF20]  }
0x49: {  	v5 =	vmov s18;
	v6 =	vld [tilespmem:s14+$0x1AF30]  }
0x4a: {  	v7 =	vld [tilespmem:s14+$0x1AF40];
	v1 =	vmul.f32 v1, v8  }
0x4b: {  	v9 =	vld [tilespmem:s14+$0x1AF50];
	v2 =	vmul.f32 v2, v8  }
0x4c: {  	s31 =	simm.s32 $0x80;
	v10 =	vld [tilespmem:s14+$0x1AF60];
	v11 =	vmul.f32 v3, v8;
	[tilespmem:s14+$0x1D770] =	vst v1  }
0x4d: {  	v4 =	vmul.f32 v4, v8;
	v3 =	vld [tilespmem:s31+$0x1AF70];
	[tilespmem:s14+$0x1D700] =	vst v2  }
0x4e: {  	v1 =	vld.idx.msk [tilespmem:v5+s15+$0x0], $0xffff;
	[tilespmem:s14+$0x1D710] =	vst v11;
	v5 =	vmul.f32 v6, v8  }
0x4f: {  	v2 =	vld [tilespmem:s31+$0x1AF00];
	[tilespmem:s14+$0x1D720] =	vst v4;
	v11 =	vmul.f32 v7, v8  }
0x50: {  	s18 =	sadd.s32 $0x1, s18;
	v4 =	vld [tilespmem:s31+$0x1AF10];
	v7 =	vmul.f32 v9, v8;
	[tilespmem:s14+$0x1D730] =	vst v5  }
0x51: {  	s17 =	simm.s32 $0x400;
	s2 =	simm.s32 $0x600;
	s0 =	sshll.u32 s30, $0x1;
	v6 =	vmov s18;
	v8 =	vmul.f32 v10, v8;
	v5 =	vld [tilespmem:s31+$0x1AF20];
	[tilespmem:s14+$0x1D740] =	vst v11  }
.LBB2_7:
0x52: {  	p2 =	sne.s32 s2, $0x4E00;
	v9 =	vld [tilespmem:s31+$0x1AF30];
	[tilespmem:s14+$0x1D750] =	vst v7  }
0x53: {  	v7 =	vld [tilespmem:s31+$0x1AF40];
	v3 =	vmul.f32 v3, v1;
	[tilespmem:s14+$0x1D760] =	vst v8;
	v8 =	vmov v1;
	s14 =	smov.u32 s31  }
0x54: {  	v2 =	vmul.f32 v2, v8;
	v10 =	vld [tilespmem:s14+$0x1AF50]  }
0x55: {  	v4 =	vmul.f32 v4, v8;
	v11 =	vld [tilespmem:s14+$0x1AF60];
	[tilespmem:s14+$0x1D770] =	vst v3  }
.Ltmp3:
0x56: {  	s31 =	sshra.s32 s17, $0x2;
	s17 =	smov.u32 s2;
	v1 =	vld.idx.msk [tilespmem:v6+s15+$0x0], $0xffff;
	[tilespmem:s14+$0x1D700] =	vst v2;
	v5 =	vmul.f32 v5, v8;
	(pc) =	sbr.rel @p2 .LBB2_7-.Ltmp3, $4  }
0x57: {  	v3 =	vld [tilespmem:s31+$0x1AF70];
	[tilespmem:s14+$0x1D710] =	vst v4;
	v6 =	vmul.f32 v9, v8  }
0x58: {  	v2 =	vld [tilespmem:s31+$0x1AF00];
	[tilespmem:s14+$0x1D720] =	vst v5;
	v9 =	vmul.f32 v7, v8  }
0x59: {  	s18 =	sadd.s32 $0x1, s18;
	v4 =	vld [tilespmem:s31+$0x1AF10];
	[tilespmem:s14+$0x1D730] =	vst v6;
	v7 =	vmul.f32 v10, v8  }
0x5a: {  	s2 =	sadd.s32 $0x200, s2;
	v6 =	vmov s18;
	v5 =	vld [tilespmem:s31+$0x1AF20];
	[tilespmem:s14+$0x1D740] =	vst v9;
	v8 =	vmul.f32 v11, v8  }
0x5b: {  	v9 =	vld [tilespmem:s31+$0x1AF30]  }
0x5c: {  	v10 =	vld [tilespmem:s31+$0x1AF40]  }
0x5d: {  	[tilespmem:s14+$0x1D750] =	vst v7;
	v7 =	vld [tilespmem:s31+$0x1AF50];
	v3 =	vmul.f32 v3, v1  }
0x5e: {  	[tilespmem:s14+$0x1D760] =	vst v8;
	v8 =	vld [tilespmem:s31+$0x1AF60];
	v2 =	vmul.f32 v2, v1  }
0x5f: {  	s2 =	sshra.s32 s17, $0x2;
	v4 =	vmul.f32 v4, v1;
	[tilespmem:s31+$0x1D770] =	vst v3;
	v3 =	vld.idx.msk [tilespmem:v6+s15+$0x0], $0xffff  }
0x60: {  	[tilespmem:s31+$0x1D700] =	vst v2;
	v2 =	vmul.f32 v5, v1;
	v5 =	vld [tilespmem:s2+$0x1AF70]  }
0x61: {  	v6 =	vld [tilespmem:s2+$0x1AF00];
	[tilespmem:s31+$0x1D710] =	vst v4;
	v4 =	vmul.f32 v9, v1  }
0x62: {  	v9 =	vld [tilespmem:s2+$0x1AF10];
	[tilespmem:s31+$0x1D720] =	vst v2;
	v2 =	vmul.f32 v10, v1  }
0x63: {  	[tilespmem:s31+$0x1D730] =	vst v4;
	v4 =	vmul.f32 v7, v1;
	v7 =	vld [tilespmem:s2+$0x1AF20]  }
0x64: {  	v1 =	vmul.f32 v8, v1;
	[tilespmem:s31+$0x1D740] =	vst v2;
	v2 =	vld [tilespmem:s2+$0x1AF30]  }
0x65: {  	[tilespmem:s31+$0x1D750] =	vst v4;
	v4 =	vld [tilespmem:s2+$0x1AF40];
	v5 =	vmul.f32 v5, v3  }
0x66: {  	[tilespmem:s31+$0x1D760] =	vst v1;
	v1 =	vmul.f32 v6, v3;
	v6 =	vld [tilespmem:s2+$0x1AF50]  }
0x67: {  	v8 =	vmul.f32 v9, v3;
	v9 =	vld [tilespmem:s2+$0x1AF60];
	[tilespmem:s2+$0x1D770] =	vst v5  }
0x68: {  	[tilespmem:s2+$0x1D700] =	vst v1;
	v1 =	vmul.f32 v7, v3  }
0x69: {  	[tilespmem:s2+$0x1D710] =	vst v8;
	v2 =	vmul.f32 v2, v3  }
0x6a: {  	[tilespmem:s2+$0x1D720] =	vst v1;
	v1 =	vmul.f32 v4, v3  }
0x6b: {  	s5 =	smul.u32 $0x140, s30;
	[tilespmem:s2+$0x1D730] =	vst v2;
	v2 =	vmul.f32 v6, v3  }
0x6c: {  	[tilespmem:s2+$0x1D740] =	vst v1;
	v1 =	vmul.f32 v9, v3  }
0x6d: {  	p2 =	seq.s32 s30, $0x7C;
	s31 =	sshra.s32 s5, $0x2;
	[tilespmem:s2+$0x1D750] =	vst v2  }
0x6e: {  	s17 =	sadd.s32 $0x16000, s31;
	[tilespmem:s2+$0x1D760] =	vst v1;
	s2 =	sshra.s32 @!p2 s5, $0x2  }
0x6f: {  	[spmem:s3] =	stream.indirect.scatter.add.f32 [tilespmem:s16], [sflag:$0x3], $0x80, s17, s21, $0xb8;
	[tilespmem:$0x1FF00] =	vst v63  }
0x70: {  	s14 =	simm.s32 @!p2 $0x1AF00;
	s5 =	simm.s32 @!p2 $0x28;
	s2 =	sadd.s32 @!p2 $0x138D0, s2  }
0x71: {  	[tilespmem:s14], [sflag:$0x1] =	stream.indirect.gather @!p2 [hbm4b:s1+s5], $0x80, s2, s5, $0xb8;
	[tilespmem:$0x1FF00] =	vst v63  }
0x72: {  	_ =	swait.ge [sflag:s22], $0x1400  }
0x73: {  	v1 =	vmov s28;
	[sflag:s22] =	ssyncset.done $0x0  }
0x74: {  	s2 =	simm.s32 @!p1 $0x4;
	[sflag:s22] =	ssyncadd.s32 $0xFFFFEC00  }
0x75: {  	_ =	swait.ge @!p1 [sflag:s2], $0x1400  }
0x76: {  	[sflag:s2] =	ssyncset.done @!p1 $0x0  }
0x77: {  	[sflag:s2] =	ssyncadd.s32 @!p1 $0xFFFFEC00  }
0x78: {  	s17 =	simm.s32 $0x0;
	v8 =	vld.idx.msk [tilespmem:v1+s15+$0x0], $0xffff  }
0x79: {  	v1 =	vld [tilespmem:s17+$0x1C370]  }
0x7a: {  	v2 =	vld [tilespmem:s17+$0x1C300]  }
0x7b: {  	v3 =	vld [tilespmem:s17+$0x1C310]  }
0x7c: {  	s18 =	sadd.s32 $0x1, s28;
	v4 =	vld [tilespmem:s17+$0x1C320]  }
0x7d: {  	v5 =	vmov s18;
	v6 =	vld [tilespmem:s17+$0x1C330]  }
0x7e: {  	v7 =	vld [tilespmem:s17+$0x1C340];
	v1 =	vmul.f32 v1, v8  }
0x7f: {  	v9 =	vld [tilespmem:s17+$0x1C350];
	v2 =	vmul.f32 v2, v8  }
0x80: {  	s14 =	simm.s32 $0x80;
	v10 =	vld [tilespmem:s17+$0x1C360];
	v11 =	vmul.f32 v3, v8;
	[tilespmem:s17+$0x1EB70] =	vst v1  }
0x81: {  	v4 =	vmul.f32 v4, v8;
	v3 =	vld [tilespmem:s14+$0x1C370];
	[tilespmem:s17+$0x1EB00] =	vst v2  }
0x82: {  	v1 =	vld.idx.msk [tilespmem:v5+s15+$0x0], $0xffff;
	[tilespmem:s17+$0x1EB10] =	vst v11;
	v5 =	vmul.f32 v6, v8  }
0x83: {  	v2 =	vld [tilespmem:s14+$0x1C300];
	[tilespmem:s17+$0x1EB20] =	vst v4;
	v11 =	vmul.f32 v7, v8  }
0x84: {  	s2 =	sadd.s32 $0x1, s18;
	v4 =	vld [tilespmem:s14+$0x1C310];
	v7 =	vmul.f32 v9, v8;
	[tilespmem:s17+$0x1EB30] =	vst v5  }
0x85: {  	s0 =	sor.u32 $0x1, s0;
	s5 =	simm.s32 $0x600;
	s18 =	simm.s32 $0x400;
	v6 =	vmov s2;
	v8 =	vmul.f32 v10, v8;
	v5 =	vld [tilespmem:s14+$0x1C320];
	[tilespmem:s17+$0x1EB40] =	vst v11  }
.LBB2_9:
0x86: {  	p1 =	sne.s32 s5, $0x4E00;
	v9 =	vld [tilespmem:s14+$0x1C330];
	[tilespmem:s17+$0x1EB50] =	vst v7  }
0x87: {  	v7 =	vld [tilespmem:s14+$0x1C340];
	v3 =	vmul.f32 v3, v1;
	[tilespmem:s17+$0x1EB60] =	vst v8;
	v8 =	vmov v1;
	s17 =	smov.u32 s14  }
0x88: {  	v2 =	vmul.f32 v2, v8;
	v10 =	vld [tilespmem:s17+$0x1C350]  }
0x89: {  	v4 =	vmul.f32 v4, v8;
	v11 =	vld [tilespmem:s17+$0x1C360];
	[tilespmem:s17+$0x1EB70] =	vst v3  }
.Ltmp4:
0x8a: {  	s14 =	sshra.s32 s18, $0x2;
	s18 =	smov.u32 s5;
	v1 =	vld.idx.msk [tilespmem:v6+s15+$0x0], $0xffff;
	[tilespmem:s17+$0x1EB00] =	vst v2;
	v5 =	vmul.f32 v5, v8;
	(pc) =	sbr.rel @p1 .LBB2_9-.Ltmp4, $4  }
0x8b: {  	v3 =	vld [tilespmem:s14+$0x1C370];
	[tilespmem:s17+$0x1EB10] =	vst v4;
	v6 =	vmul.f32 v9, v8  }
0x8c: {  	v2 =	vld [tilespmem:s14+$0x1C300];
	[tilespmem:s17+$0x1EB20] =	vst v5;
	v9 =	vmul.f32 v7, v8  }
0x8d: {  	s2 =	sadd.s32 $0x1, s2;
	v4 =	vld [tilespmem:s14+$0x1C310];
	[tilespmem:s17+$0x1EB30] =	vst v6;
	v7 =	vmul.f32 v10, v8  }
0x8e: {  	s5 =	sadd.s32 $0x200, s5;
	v6 =	vmov s2;
	v5 =	vld [tilespmem:s14+$0x1C320];
	[tilespmem:s17+$0x1EB40] =	vst v9;
	v8 =	vmul.f32 v11, v8  }
0x8f: {  	v9 =	vld [tilespmem:s14+$0x1C330]  }
0x90: {  	v10 =	vld [tilespmem:s14+$0x1C340]  }
0x91: {  	[tilespmem:s17+$0x1EB50] =	vst v7;
	v52 =	vld [tilespmem:s14+$0x1C350];
	v3 =	vmul.f32 v3, v1  }
0x92: {  	v53 =	vld [tilespmem:s14+$0x1C360];
	s2 =	sshra.s32 s18, $0x2;
	[tilespmem:s17+$0x1EB60] =	vst v8;
	v2 =	vmul.f32 v2, v1  }
0x93: {  	v56 =	vld [tilespmem:s2+$0x1C300];
	v4 =	vmul.f32 v4, v1;
	[tilespmem:s14+$0x1EB70] =	vst v3  }
0x94: {  	v3 =	vld.idx.msk [tilespmem:v6+s15+$0x0], $0xffff;
	[tilespmem:s14+$0x1EB00] =	vst v2;
	v2 =	vmul.f32 v5, v1  }
0x95: {  	v54 =	vld [tilespmem:s2+$0x1C370];
	[tilespmem:s14+$0x1EB10] =	vst v4;
	v55 =	vmul.f32 v9, v1  }
0x96: {  	v59 =	vld [tilespmem:s2+$0x1C320];
	[tilespmem:s14+$0x1EB20] =	vst v2;
	v2 =	vmul.f32 v10, v1  }
0x97: {  	v57 =	vld [tilespmem:s2+$0x1C310];
	v58 =	vmul.f32 v52, v1;
	v1 =	vmul.f32 v53, v1;
	[tilespmem:s14+$0x1EB30] =	vst v55  }
0x98: {  	v60 =	vld [tilespmem:s2+$0x1C340];
	[tilespmem:s14+$0x1EB40] =	vst v2  }
0x99: {  	v2 =	vld [tilespmem:s2+$0x1C330];
	[tilespmem:s14+$0x1EB60] =	vst v1;
	v1 =	vmul.f32 v56, v3  }
0x9a: {  	v63 =	vld [tilespmem:s2+$0x1C360];
	[tilespmem:s14+$0x1EB50] =	vst v58;
	v5 =	vmul.f32 v54, v3  }
0x9b: {  	v61 =	vld [tilespmem:s2+$0x1C350];
	[tilespmem:s2+$0x1EB00] =	vst v1;
	v1 =	vmul.f32 v59, v3  }
0x9c: {  	v62 =	vmul.f32 v57, v3;
	[tilespmem:s2+$0x1EB70] =	vst v5  }
0x9d: {  	[tilespmem:s2+$0x1EB20] =	vst v1;
	v1 =	vmul.f32 v60, v3  }
0x9e: {  	s0 =	smul.u32 $0xA0, s0;
	[tilespmem:s2+$0x1EB10] =	vst v62;
	v2 =	vmul.f32 v2, v3  }
.Ltmp5:
0x9f: {  	[tilespmem:s2+$0x1EB40] =	vst v1;
	v1 =	vmul.f32 v63, v3;
	(pc) =	sbr.rel @p2 .LBB2_12-.Ltmp5, $4  }
0xa0: {  	[tilespmem:s2+$0x1EB30] =	vst v2;
	v2 =	vmul.f32 v61, v3  }
0xa1: {  	s0 =	sshra.s32 s0, $0x2;
	[tilespmem:s2+$0x1EB60] =	vst v1  }
0xa2: {  	s0 =	sadd.s32 $0x16000, s0;
	[tilespmem:s2+$0x1EB50] =	vst v2  }
0xa3: {  	[spmem:s3] =	stream.indirect.scatter.add.f32 [tilespmem:s23], [sflag:$0x4], $0x80, s0, s21, $0xb8;
	[tilespmem:$0x1FF00] =	vst v63  }
.Ltmp6:
0xa4: {  	(pc) =	sbr.rel .LBB2_6-.Ltmp6, $4  }
0xa5: {  	_ = 	snop  }
0xa6: {  	s0 =	sadd.s32 $0x138F8, s31  }
0xa7: {  	s30 =	sadd.s32 $0x1, s30;
	s29 =	sadd.s32 $0x50, s29;
	s28 =	sadd.s32 $0x50, s28  }
0xa8: {  	[tilespmem:s19], [sflag:$0x2] =	stream.indirect.gather [hbm4b:s1+s21], $0x80, s0, s21, $0xb8;
	[tilespmem:$0x1FF00] =	vst v63  }
.LBB2_12:
0xa9: {  	_ =	swait.ge [sflag:s24], $0x1400  }
0xaa: {  	[sflag:s24] =	ssyncset.done $0x0  }
0xab: {  	[sflag:s24] =	ssyncadd.s32 $0xFFFFEC00  }
0xac: {  	_ =	swait.ge [sflag:s25], $0x1400  }
.Ltmp7:
0xad: {  	s0 =	stileid.u32;
	[sflag:s25] =	ssyncset.done $0x0;
	(pc) =	sbr.rel @!p0 .LBB2_14-.Ltmp7, $4  }
0xae: {  	s2 =	sshrl.u32 s10, $0x3;
	s0 =	sshll.u32 s0, $0x6;
	[sflag:s25] =	ssyncadd.s32 $0xFFFFEC00  }
0xaf: {  	s5 =	sadd.s32 $0x5000, s11;
	s0 =	sor.u32 $0x1C05, s0;
	[bflag:$0x0] =	sbarrier.arrive $0xFFFF  }
0xb0: {  	[hbm:s11], [sflag:s0] =	dma.local [spmem:s2], $0x500  }
0xb1: {  	s14 =	smov.u32 s10;
	s2 =	sadd.s32 $0xFFFFFFFF, s8;
	_ =	swait.ge [sflag:s13], $0x500  }
.LBB2_13:
0xb2: {  	[sflag:s13] =	ssyncset.done $0x0;
	s14 =	sadd.s32 $0x28000, s14;
	p0 =	sne.s32 s2, $0x1  }
.Ltmp8:
0xb3: {  	s17 =	sshrl.u32 s14, $0x3;
	[sflag:s13] =	ssyncadd.s32 $0xFFFFFB00;
	(pc) =	sbr.rel @p0 .LBB2_13-.Ltmp8, $3  }
0xb4: {  	[hbm:s5], [sflag:s0] =	dma.local [spmem:s17], $0x500  }
0xb5: {  	s2 =	sadd.s32 $0xFFFFFFFF, s2;
	_ =	sdelay $0x1  }
0xb6: {  	s5 =	sadd.s32 $0x5000, s5;
	_ =	swait.ge [sflag:s13], $0x500  }
.LBB2_14:
0xb7: {  	s26 =	sadd.s32 $0x1, s26  }
0xb8: {  	p0 =	sne.s32 s26, s9  }
.Ltmp9:
0xb9: {  	_ = 	snop;
	(pc) =	sbr.rel @p0 .LBB2_1-.Ltmp9, $3  }
0xba: {  	_ =	sdelay $0x1  }
0xbb: {  	[sflag:s13] =	ssyncset.done $0x0  }
0xbc: {  	[sflag:s13] =	ssyncadd.s32 $0xFFFFFB00  }
0xbd: {  	_ =	sfence.sel $0x180000  }
0xbe: {  	[bflag:$0x0] =	sbarrier.arrive $0xFFFF  }
0xbf: {  	_ =	strace $0x9000004A  }
0xc0: {  	s0 =	stileid.u32;
	[bflag:$0x2] =	sbarrier.arrive $0xFFFF  }
0xc1: {  	p0 =	sne.s32 s0, $0x0;
	s0 =	rddreg [dreg:$0x4]  }
0xc2: {  	s0 =	sadd.s32 @!p0 $0x100000, s0  }
0xc3: {  	[sflag:s0] =	ssyncadd.tile.s32 @!p0 $0x1;
	_ =	shalt  }
.Lfunc_end2:
_tile_overlayer_lowered:
.L_overlay_start_2:
0xc4: {  	(tag) =	ssettag $0x2  }
0xc5: {  	s0 =	rddreg [dreg:$0x0];
	s2 =	stileid.u32  }
0xc6: {  	s1 =	rddreg [dreg:$0x1];
	p0 =	sne.s32 s2, $0x0  }
0xc7: {  	s3 =	rddreg [dreg:$0x2];
	[bflag:$0x3] =	sbarrier.arrive $0xFFFF;
	s2 =	simm.s32 @!p0 $0x1C05  }
0xc8: {  	[timem:s3], [sflag:s2] =	dma.local @!p0 [hbm:s0], s1  }
0xc9: {  	s0 =	simm.s32 @!p0 $0x5  }
0xca: {  	_ =	swait.ge @!p0 [sflag:s0], s1  }
0xcb: {  	s1 =	ssub.s32 @!p0 $0x0, s1;
	[sflag:s0] =	ssyncset.done @!p0 $0x0  }
0xcc: {  	[sflag:s0] =	ssyncadd.s32 @!p0 s1  }
0xcd: {  	[bflag:$0x3] =	sbarrier.arrive $0xFFFF  }
0xce: {  	_ =	shalt  }

</sc_bundles>
